<compile_context>
chip_gen: v7x
topology: tpu7x:2x2x1
jax: 0.10.2.dev20260603
libtpu: 0.0.44.dev20260713+nightly
codegen_flags: <defaults>
</compile_context>

<pallas_src>
import functools

import jax
import jax.numpy as jnp
from jax import lax
from jax.experimental import pallas as pl
from jax.experimental.pallas import tpu as pltpu
from jax.experimental.pallas import tpu_sc as plsc

N = 10000
E = 320000
D = 128

NC = 2
NS = 16
NW = NC * NS
CHUNK = 128
NCH = 80
EDGES_PER_TILE = CHUNK * NCH
E_PAD = EDGES_PER_TILE * NW
N_PAD = 10240
ROWS_PER_TILE = N_PAD // NS
DUMMY = N
NV = EDGES_PER_TILE // 16
KSUP = 2
SLOW_C = 1
NCH_S = 44
NCH_F = 2 * NCH - NCH_S
RB = 1024
GRID = N_PAD // RB

def _sc_degree_body(dst_hbm, out_hbm, dst_v, hist, sem):
    c = lax.axis_index("c")
    s = lax.axis_index("s")
    wid = s * NC + c
    pltpu.sync_copy(dst_hbm.at[wid], dst_v)

    def zero(i, carry):
        hist[pl.ds(i * 16, 16)] = jnp.zeros((16,), jnp.float32)
        return carry

    lax.fori_loop(0, N_PAD // 16, zero, 0)
    ones = jnp.ones((16,), jnp.float32)

    def body(i, carry):
        plsc.addupdate_scatter(hist, [dst_v[i]], ones)
        return carry

    lax.fori_loop(0, NV, body, 0)
    pltpu.sync_copy(hist, out_hbm.at[wid])


def _sc_scatter_rows_body(g_hbm, packed_hbm, zeros_hbm, out_hbm,
                          packed_v, sidx, didx, rows, acc, sem0):
    c = lax.axis_index("c")
    s = lax.axis_index("s")
    wid = s * NC + c
    pltpu.sync_copy(zeros_hbm.at[pl.ds(s * ROWS_PER_TILE, ROWS_PER_TILE)],
                    acc.at[pl.ds(s * ROWS_PER_TILE, ROWS_PER_TILE)])
    pltpu.sync_copy(packed_hbm.at[wid], packed_v)
    plsc.subcore_barrier()

    def body(j, carry):
        def u(v, carry2):
            i = j * KSUP + v // (CHUNK // 16)
            col = (v % (CHUNK // 16)) * 16
            pk = packed_v[i, pl.ds(col, 16)]
            sidx[pl.ds(v * 16, 16)] = jnp.bitwise_and(pk, 65535)
            didx[pl.ds(v * 16, 16)] = lax.shift_right_logical(pk, 16)
            return carry2

        lax.fori_loop(0, KSUP * (CHUNK // 16), u, 0)
        pltpu.async_copy(g_hbm.at[sidx], rows, sem0).wait()
        pltpu.sync_copy(rows, acc.at[didx], add=True)
        return carry

    n_mine = jnp.where(c == SLOW_C, NCH_S // KSUP, NCH_F // KSUP)
    lax.fori_loop(0, n_mine, body, 0)
    plsc.subcore_barrier()
    pltpu.sync_copy(acc.at[pl.ds(s * ROWS_PER_TILE, ROWS_PER_TILE)],
                    out_hbm.at[c, pl.ds(s * ROWS_PER_TILE, ROWS_PER_TILE)])


@functools.cache
def _sc_kernels():
    mesh = plsc.VectorSubcoreMesh(
        core_axis_name="c", subcore_axis_name="s",
        num_cores=NC, num_subcores=NS)
    sc_degree = pl.kernel(
        _sc_degree_body,
        out_type=jax.ShapeDtypeStruct((NW, N_PAD), jnp.float32),
        mesh=mesh,
        compiler_params=pltpu.CompilerParams(needs_layout_passes=False),
        scratch_types=[
            pltpu.VMEM((NV, 16), jnp.int32),
            pltpu.VMEM((N_PAD,), jnp.float32),
            pltpu.SemaphoreType.DMA,
        ],
    )
    sc_scatter_rows = pl.kernel(
        _sc_scatter_rows_body,
        out_type=jax.ShapeDtypeStruct((NC, N_PAD, D), jnp.float32),
        mesh=mesh,
        scratch_types=[
            pltpu.VMEM((NCH_F, CHUNK), jnp.int32),
            pltpu.VMEM((KSUP * CHUNK,), jnp.int32),
            pltpu.VMEM((KSUP * CHUNK,), jnp.int32),
            pltpu.VMEM((KSUP * CHUNK, D), jnp.float32),
            pltpu.VMEM_SHARED((N_PAD, D), jnp.float32),
            pltpu.SemaphoreType.DMA,
        ],
    )
    return sc_degree, sc_scatter_rows


def _deg_scale(ht):
    return lax.rsqrt(jnp.sum(ht, axis=1, keepdims=True) + 1.0)


def _t1_body(x_ref, w_ref, ht_ref, g_ref):
    d = _deg_scale(ht_ref[...])
    h = jnp.dot(x_ref[...], w_ref[...], preferred_element_type=jnp.float32)
    g_ref[...] = h * d


def _t2_body(a0_ref, a1_ref, g_ref, ht_ref, b_ref, w_ref, out_ref):
    d = _deg_scale(ht_ref[...])
    z = d * (a0_ref[...] + a1_ref[...] + g_ref[...]) + b_ref[...]
    r = jnp.maximum(z, 0.0)
    out_ref[...] = jnp.dot(r, w_ref[...], preferred_element_type=jnp.float32) * d


def _t3_body(a0_ref, a1_ref, g_ref, ht_ref, b_ref,
             h_ref, logp_ref, pred_ref):
    d = _deg_scale(ht_ref[...])
    z = d * (a0_ref[...] + a1_ref[...] + g_ref[...]) + b_ref[...]
    h_ref[...] = z
    m = jnp.max(z, axis=1, keepdims=True)
    lse = m + jnp.log(jnp.sum(jnp.exp(z - m), axis=1, keepdims=True))
    logp_ref[...] = z - lse
    idx = lax.broadcasted_iota(jnp.int32, z.shape, 1)
    pred = jnp.min(jnp.where(z == m, idx, jnp.int32(2**30)), axis=1)
    pred_ref[...] = pred[:, None]


def _row_spec(width=D):
    return pl.BlockSpec((RB, width), lambda i: (i, 0))


def _full_spec(shape):
    return pl.BlockSpec(shape, lambda i: (0,) * len(shape))


def kernel(x, edge_index, W1, b1, W2, b2):
    src = edge_index[0]
    dst = edge_index[1]
    pad = E_PAD - E
    src_p = jnp.concatenate([src, jnp.zeros((pad,), jnp.int32)]).reshape(
        NW, NCH, CHUNK)
    dst_p = jnp.concatenate([dst, jnp.full((pad,), DUMMY, jnp.int32)]).reshape(
        NW, NCH, CHUNK)
    packed_flat = (src_p + dst_p * 65536).reshape(NW * NCH, CHUNK)
    n_fast = NS * NCH_F
    a_fast = packed_flat[:n_fast].reshape(NS, NCH_F, CHUNK)
    a_slow = packed_flat[n_fast:].reshape(NS, NCH_S, CHUNK)
    a_slow = jnp.concatenate(
        [a_slow,
         jnp.full((NS, NCH_F - NCH_S, CHUNK), DUMMY * 65536, jnp.int32)],
        axis=1)
    pair = (a_slow, a_fast) if SLOW_C == 0 else (a_fast, a_slow)
    packed_sc = jnp.stack(pair, axis=1).reshape(NW, NCH_F, CHUNK)
    x_pad = jnp.pad(x, ((0, N_PAD - N), (0, 0)))
    zerosD = jnp.zeros((N_PAD, D), jnp.float32)
    b1r = b1.reshape(1, D)
    b2r = b2.reshape(1, D)

    sc_degree, sc_scatter_rows = _sc_kernels()
    hist = sc_degree(dst_p.reshape(NW, NV, 16))
    ht = hist.T

    g1 = pl.pallas_call(
        _t1_body,
        grid=(GRID,),
        in_specs=[_row_spec(), _full_spec((D, D)), _row_spec(NW)],
        out_specs=_row_spec(),
        out_shape=jax.ShapeDtypeStruct((N_PAD, D), jnp.float32),
    )(x_pad, W1, ht)

    acc1 = sc_scatter_rows(g1, packed_sc, zerosD)

    g2 = pl.pallas_call(
        _t2_body,
        grid=(GRID,),
        in_specs=[_row_spec(), _row_spec(), _row_spec(), _row_spec(NW),
                  _full_spec((1, D)), _full_spec((D, D))],
        out_specs=_row_spec(),
        out_shape=jax.ShapeDtypeStruct((N_PAD, D), jnp.float32),
    )(acc1[0], acc1[1], g1, ht, b1r, W2)

    acc2 = sc_scatter_rows(g2, packed_sc, zerosD)

    h_out, logp, pred = pl.pallas_call(
        _t3_body,
        grid=(GRID,),
        in_specs=[_row_spec(), _row_spec(), _row_spec(), _row_spec(NW),
                  _full_spec((1, D))],
        out_specs=[_row_spec(), _row_spec(), _row_spec(1)],
        out_shape=[
            jax.ShapeDtypeStruct((N_PAD, D), jnp.float32),
            jax.ShapeDtypeStruct((N_PAD, D), jnp.float32),
            jax.ShapeDtypeStruct((N_PAD, 1), jnp.int32),
        ],
    )(acc2[0], acc2[1], g2, ht, b2r)

    return (h_out[:N], logp[:N], pred[:N, 0])

# --- scband reference (transcript-rebuilt; emitter-appended) ---
"""Pipeline reference for scband-gcn-58110907515029 (READ-ONLY COPY).

The authoritative reference and input builder live on the scoring server;
editing this copy changes nothing except your own understanding.
"""

import jax, jax.numpy as jnp
import numpy as np

N = 10000
E = 320000
D_IN = 128
D_H = 128
D_OUT = 128


def setup_inputs(seed: int = 0) -> dict:
    key = jax.random.key(seed)
    k1, k2, k3, k4, k5, k6 = jax.random.split(key, 6)
    x = jax.random.normal(k1, (N, D_IN), dtype=jnp.float32)
    edge_index = jax.random.randint(k2, (2, E), 0, N, dtype=jnp.int32)
    W1 = jax.random.normal(k3, (D_IN, D_H), dtype=jnp.float32) * (1.0 / np.sqrt(D_IN))
    b1 = jnp.zeros((D_H,), dtype=jnp.float32)
    W2 = jax.random.normal(k4, (D_H, D_OUT), dtype=jnp.float32) * (1.0 / np.sqrt(D_H))
    b2 = jnp.zeros((D_OUT,), dtype=jnp.float32)
    return {"x": x, "edge_index": edge_index, "W1": W1, "b1": b1, "W2": W2, "b2": b2}


def _gcn_conv(x, src, dst, W, b):
    # GCNConv: x' = D^{-1/2} (A + I) D^{-1/2} x W + b  (self-loops already appended to src/dst)
    h = x @ W
    deg = jnp.zeros((N,), dtype=x.dtype).at[dst].add(1.0)
    deg_inv_sqrt = jnp.where(deg > 0, jax.lax.rsqrt(deg), 0.0)
    norm = deg_inv_sqrt[src] * deg_inv_sqrt[dst]
    msg = h[src] * norm[:, None]
    out = jax.ops.segment_sum(msg, dst, num_segments=N) + b
    return out


def reference(x, edge_index, W1, b1, W2, b2):
    # eval mode: dropout is identity
    loop = jnp.arange(N, dtype=edge_index.dtype)
    src = jnp.concatenate([edge_index[0], loop])
    dst = jnp.concatenate([edge_index[1], loop])
    h = _gcn_conv(x, src, dst, W1, b1)
    h = jax.nn.relu(h)
    h = _gcn_conv(h, src, dst, W2, b2)
    out = jax.nn.log_softmax(h, axis=1)
    softmax = jnp.exp(out)
    predictions = jnp.argmax(softmax, axis=1)
    return (h, out, predictions)

if __name__ == "__main__":
    import jax
    _d = setup_inputs()
    print(jax.jit(kernel)(*tuple(_d.values())))

</pallas_src>

<mosaic_0001>
#map = affine_map<(d0, d1) -> (0, 0, 0)>
#map1 = affine_map<(d0, d1) -> (0, 0)>
module attributes {stable_mosaic.version = 14 : i64} {
  func.func @_sc_degree_body(%arg0: i32, %arg1: i32, %arg2: memref<32x640x16xi32, #tpu.memory_space<hbm>>, %arg3: memref<32x10240xf32, #tpu.memory_space<hbm>>, %arg4: memref<640x16xi32, #tpu.memory_space<vmem>>, %arg5: memref<10240xf32, #tpu.memory_space<vmem>>, %arg6: memref<!tpu.dma_semaphore, #tpu.memory_space<semaphore_mem>>) attributes {dimension_semantics = [#tpu.dimension_semantics<core_parallel>, #tpu.dimension_semantics<subcore_parallel>], iteration_bounds = array<i64: 2, 16>, scalar_prefetch = 0 : i64, scratch_operands = 3 : i64, tpu.core_type = #tpu.core_type<sc_vector_subcore>, window_params = [{transform_indices = #map}, {transform_indices = #map1}]} {
    %mul3A = arith.constant 2 : i32
    %mul3A_0 = arith.muli %arg1, %mul3A : i32
    %add3A = arith.addi %mul3A_0, %arg0 : i32
    "tpu.region"() ({
      %run_scoped3A = tpu.sem_alloc : memref<!tpu.dma_semaphore, #tpu.memory_space<semaphore_mem>>
      %dma_start3A = arith.constant 0 : i32
      %dma_start3A_13 = arith.constant 0 : i32
      %dma_start3A_14 = tpu.memref_slice %arg2[%add3A, %dma_start3A, %dma_start3A_13] : memref<32x640x16xi32, #tpu.memory_space<hbm>> -> memref<1x640x16xi32, #tpu.memory_space<hbm>>
      %dma_start3A_15 = tpu.memref_squeeze %dma_start3A_14 : memref<1x640x16xi32, #tpu.memory_space<hbm>> -> memref<640x16xi32, #tpu.memory_space<hbm>>
      %dma_start3A_16 = arith.constant 0 : i32
      %dma_start3A_17 = arith.constant 0 : i32
      %dma_start3A_18 = tpu.memref_slice %arg2[%add3A, %dma_start3A_16, %dma_start3A_17] : memref<32x640x16xi32, #tpu.memory_space<hbm>> -> memref<1x640x16xi32, #tpu.memory_space<hbm>>
      %dma_start3A_19 = tpu.memref_squeeze %dma_start3A_18 : memref<1x640x16xi32, #tpu.memory_space<hbm>> -> memref<640x16xi32, #tpu.memory_space<hbm>>
      tpu.enqueue_dma source(%dma_start3A_19 : memref<640x16xi32, #tpu.memory_space<hbm>>) target(%arg4 : memref<640x16xi32, #tpu.memory_space<vmem>>) target_semaphore(%run_scoped3A : memref<!tpu.dma_semaphore, #tpu.memory_space<semaphore_mem>>)
      %dma_wait3A = arith.constant 0 : i32
      %dma_wait3A_20 = arith.constant 0 : i32
      %dma_wait3A_21 = tpu.memref_slice %arg2[%add3A, %dma_wait3A, %dma_wait3A_20] : memref<32x640x16xi32, #tpu.memory_space<hbm>> -> memref<1x640x16xi32, #tpu.memory_space<hbm>>
      %dma_wait3A_22 = tpu.memref_squeeze %dma_wait3A_21 : memref<1x640x16xi32, #tpu.memory_space<hbm>> -> memref<640x16xi32, #tpu.memory_space<hbm>>
      %dma_wait3A_23 = arith.constant 0 : i32
      %dma_wait3A_24 = arith.constant 0 : i32
      %dma_wait3A_25 = tpu.memref_slice %arg2[%add3A, %dma_wait3A_23, %dma_wait3A_24] : memref<32x640x16xi32, #tpu.memory_space<hbm>> -> memref<1x640x16xi32, #tpu.memory_space<hbm>>
      %dma_wait3A_26 = tpu.memref_squeeze %dma_wait3A_25 : memref<1x640x16xi32, #tpu.memory_space<hbm>> -> memref<640x16xi32, #tpu.memory_space<hbm>>
      tpu.wait_dma2 semaphore(%run_scoped3A : memref<!tpu.dma_semaphore, #tpu.memory_space<semaphore_mem>>) src(%dma_wait3A_26 : memref<640x16xi32, #tpu.memory_space<hbm>>) dst(%arg4 : memref<640x16xi32, #tpu.memory_space<vmem>>)
      tpu.yield
    }) : () -> ()
    %scan3A = arith.constant 0 : i32
    %scan3A_1 = arith.constant 0 : i32
    %scan3A_2 = arith.constant 640 : i32
    %scan3A_3 = arith.addi %scan3A_1, %scan3A_2 : i32
    %scan3A_4 = arith.constant 1 : i32
    scf.for %scan3A_13 = %scan3A_1 to %scan3A_3 step %scan3A_4  : i32 {
      %broadcast_in_dim3A_14 = arith.constant 0.000000e+00 : f32
      %broadcast_in_dim3A_15 = vector.broadcast %broadcast_in_dim3A_14 : f32 to vector<16xf32>
      %mul3A_16 = arith.constant 16 : i32
      %mul3A_17 = arith.muli %scan3A_13, %mul3A_16 : i32
      %swap3A = arith.index_cast %mul3A_17 : i32 to index
      %swap3A_18 = tpu.vector_load %arg5[%swap3A] {strides = array<i32>} : memref<10240xf32, #tpu.memory_space<vmem>>, vector<16xf32>,
      tpu.vector_store %arg5[%swap3A], %broadcast_in_dim3A_15 {strides = array<i32>} : memref<10240xf32, #tpu.memory_space<vmem>>, vector<16xf32>,
    }
    %scan3A_5 = arith.constant 640 : i32
    %broadcast_in_dim3A = arith.constant 1.000000e+00 : f32
    %broadcast_in_dim3A_6 = vector.broadcast %broadcast_in_dim3A : f32 to vector<16xf32>
    %scan3A_7 = arith.constant 0 : i32
    %scan3A_8 = arith.constant 0 : i32
    %scan3A_9 = arith.constant 640 : i32
    %scan3A_10 = arith.addi %scan3A_8, %scan3A_9 : i32
    %scan3A_11 = arith.constant 1 : i32
    scf.for %scan3A_13 = %scan3A_8 to %scan3A_10 step %scan3A_11  : i32 {
      %get3A = arith.index_cast %scan3A_13 : i32 to index
      %get3A_14 = arith.constant 0 : index
      %get3A_15 = tpu.vector_load %arg4[%get3A, %get3A_14] {strides = array<i32>} : memref<640x16xi32, #tpu.memory_space<vmem>>, vector<16xi32>,
      tpu.vector_store_idx %arg5[%get3A_15], %broadcast_in_dim3A_6 {add = true} : memref<10240xf32, #tpu.memory_space<vmem>>[vector<16xi32>], vector<16xf32>,
    }
    %scan3A_12 = arith.constant 640 : i32
    "tpu.region"() ({
      %run_scoped3A = tpu.sem_alloc : memref<!tpu.dma_semaphore, #tpu.memory_space<semaphore_mem>>
      %dma_start3A = arith.constant 0 : i32
      %dma_start3A_13 = tpu.memref_slice %arg3[%add3A, %dma_start3A] : memref<32x10240xf32, #tpu.memory_space<hbm>> -> memref<1x10240xf32, #tpu.memory_space<hbm>>
      %dma_start3A_14 = tpu.memref_squeeze %dma_start3A_13 : memref<1x10240xf32, #tpu.memory_space<hbm>> -> memref<10240xf32, #tpu.memory_space<hbm>>
      %dma_start3A_15 = arith.constant 0 : i32
      %dma_start3A_16 = tpu.memref_slice %arg3[%add3A, %dma_start3A_15] : memref<32x10240xf32, #tpu.memory_space<hbm>> -> memref<1x10240xf32, #tpu.memory_space<hbm>>
      %dma_start3A_17 = tpu.memref_squeeze %dma_start3A_16 : memref<1x10240xf32, #tpu.memory_space<hbm>> -> memref<10240xf32, #tpu.memory_space<hbm>>
      tpu.enqueue_dma source(%arg5 : memref<10240xf32, #tpu.memory_space<vmem>>) target(%dma_start3A_17 : memref<10240xf32, #tpu.memory_space<hbm>>) target_semaphore(%run_scoped3A : memref<!tpu.dma_semaphore, #tpu.memory_space<semaphore_mem>>)
      %dma_wait3A = arith.constant 0 : i32
      %dma_wait3A_18 = tpu.memref_slice %arg3[%add3A, %dma_wait3A] : memref<32x10240xf32, #tpu.memory_space<hbm>> -> memref<1x10240xf32, #tpu.memory_space<hbm>>
      %dma_wait3A_19 = tpu.memref_squeeze %dma_wait3A_18 : memref<1x10240xf32, #tpu.memory_space<hbm>> -> memref<10240xf32, #tpu.memory_space<hbm>>
      %dma_wait3A_20 = arith.constant 0 : i32
      %dma_wait3A_21 = tpu.memref_slice %arg3[%add3A, %dma_wait3A_20] : memref<32x10240xf32, #tpu.memory_space<hbm>> -> memref<1x10240xf32, #tpu.memory_space<hbm>>
      %dma_wait3A_22 = tpu.memref_squeeze %dma_wait3A_21 : memref<1x10240xf32, #tpu.memory_space<hbm>> -> memref<10240xf32, #tpu.memory_space<hbm>>
      tpu.wait_dma2 semaphore(%run_scoped3A : memref<!tpu.dma_semaphore, #tpu.memory_space<semaphore_mem>>) src(%arg5 : memref<10240xf32, #tpu.memory_space<vmem>>) dst(%dma_wait3A_22 : memref<10240xf32, #tpu.memory_space<hbm>>)
      tpu.yield
    }) : () -> ()
    return
  }
}

#map = affine_map<(d0, d1) -> (0, 0)>
#map1 = affine_map<(d0, d1) -> (0, 0, 0)>
module attributes {stable_mosaic.version = 14 : i64} {
  func.func @_sc_scatter_rows_body(%arg0: i32, %arg1: i32, %arg2: memref<10240x128xf32, #tpu.memory_space<hbm>>, %arg3: memref<32x116x128xi32, #tpu.memory_space<hbm>>, %arg4: memref<10240x128xf32, #tpu.memory_space<hbm>>, %arg5: memref<2x10240x128xf32, #tpu.memory_space<hbm>>, %arg6: memref<116x128xi32, #tpu.memory_space<vmem>>, %arg7: memref<256xi32, #tpu.memory_space<vmem>>, %arg8: memref<256xi32, #tpu.memory_space<vmem>>, %arg9: memref<256x128xf32, #tpu.memory_space<vmem>>, %arg10: memref<10240x128xf32, #tpu.memory_space<vmem_shared>>, %arg11: memref<!tpu.dma_semaphore, #tpu.memory_space<semaphore_mem>>) attributes {dimension_semantics = [#tpu.dimension_semantics<core_parallel>, #tpu.dimension_semantics<subcore_parallel>], iteration_bounds = array<i64: 2, 16>, scalar_prefetch = 0 : i64, scratch_operands = 6 : i64, tpu.core_type = #tpu.core_type<sc_vector_subcore>, window_params = [{transform_indices = #map}, {transform_indices = #map1}, {transform_indices = #map}, {transform_indices = #map1}]} {
    %mul3A = arith.constant 2 : i32
    %mul3A_0 = arith.muli %arg1, %mul3A : i32
    %add3A = arith.addi %mul3A_0, %arg0 : i32
    %mul3A_1 = arith.constant 640 : i32
    %mul3A_2 = arith.muli %arg1, %mul3A_1 : i32
    %mul3A_3 = arith.constant 640 : i32
    %mul3A_4 = arith.muli %arg1, %mul3A_3 : i32
    "tpu.region"() ({
      %run_scoped3A = tpu.sem_alloc : memref<!tpu.dma_semaphore, #tpu.memory_space<semaphore_mem>>
      %dma_start3A = arith.constant 0 : i32
      %dma_start3A_21 = tpu.memref_slice %arg10[%mul3A_4, %dma_start3A] : memref<10240x128xf32, #tpu.memory_space<vmem_shared>> -> memref<640x128xf32, #tpu.memory_space<vmem_shared>>
      %dma_start3A_22 = arith.constant 0 : i32
      %dma_start3A_23 = tpu.memref_slice %arg4[%mul3A_2, %dma_start3A_22] : memref<10240x128xf32, #tpu.memory_space<hbm>> -> memref<640x128xf32, #tpu.memory_space<hbm>>
      tpu.enqueue_dma source(%dma_start3A_23 : memref<640x128xf32, #tpu.memory_space<hbm>>) target(%dma_start3A_21 : memref<640x128xf32, #tpu.memory_space<vmem_shared>>) target_semaphore(%run_scoped3A : memref<!tpu.dma_semaphore, #tpu.memory_space<semaphore_mem>>)
      %dma_wait3A = arith.constant 0 : i32
      %dma_wait3A_24 = tpu.memref_slice %arg10[%mul3A_4, %dma_wait3A] : memref<10240x128xf32, #tpu.memory_space<vmem_shared>> -> memref<640x128xf32, #tpu.memory_space<vmem_shared>>
      %dma_wait3A_25 = arith.constant 0 : i32
      %dma_wait3A_26 = tpu.memref_slice %arg4[%mul3A_2, %dma_wait3A_25] : memref<10240x128xf32, #tpu.memory_space<hbm>> -> memref<640x128xf32, #tpu.memory_space<hbm>>
      tpu.wait_dma2 semaphore(%run_scoped3A : memref<!tpu.dma_semaphore, #tpu.memory_space<semaphore_mem>>) src(%dma_wait3A_26 : memref<640x128xf32, #tpu.memory_space<hbm>>) dst(%dma_wait3A_24 : memref<640x128xf32, #tpu.memory_space<vmem_shared>>)
      tpu.yield
    }) : () -> ()
    "tpu.region"() ({
      %run_scoped3A = tpu.sem_alloc : memref<!tpu.dma_semaphore, #tpu.memory_space<semaphore_mem>>
      %dma_start3A = arith.constant 0 : i32
      %dma_start3A_21 = arith.constant 0 : i32
      %dma_start3A_22 = tpu.memref_slice %arg3[%add3A, %dma_start3A, %dma_start3A_21] : memref<32x116x128xi32, #tpu.memory_space<hbm>> -> memref<1x116x128xi32, #tpu.memory_space<hbm>>
      %dma_start3A_23 = tpu.memref_squeeze %dma_start3A_22 : memref<1x116x128xi32, #tpu.memory_space<hbm>> -> memref<116x128xi32, #tpu.memory_space<hbm>>
      %dma_start3A_24 = arith.constant 0 : i32
      %dma_start3A_25 = arith.constant 0 : i32
      %dma_start3A_26 = tpu.memref_slice %arg3[%add3A, %dma_start3A_24, %dma_start3A_25] : memref<32x116x128xi32, #tpu.memory_space<hbm>> -> memref<1x116x128xi32, #tpu.memory_space<hbm>>
      %dma_start3A_27 = tpu.memref_squeeze %dma_start3A_26 : memref<1x116x128xi32, #tpu.memory_space<hbm>> -> memref<116x128xi32, #tpu.memory_space<hbm>>
      tpu.enqueue_dma source(%dma_start3A_27 : memref<116x128xi32, #tpu.memory_space<hbm>>) target(%arg6 : memref<116x128xi32, #tpu.memory_space<vmem>>) target_semaphore(%run_scoped3A : memref<!tpu.dma_semaphore, #tpu.memory_space<semaphore_mem>>)
      %dma_wait3A = arith.constant 0 : i32
      %dma_wait3A_28 = arith.constant 0 : i32
      %dma_wait3A_29 = tpu.memref_slice %arg3[%add3A, %dma_wait3A, %dma_wait3A_28] : memref<32x116x128xi32, #tpu.memory_space<hbm>> -> memref<1x116x128xi32, #tpu.memory_space<hbm>>
      %dma_wait3A_30 = tpu.memref_squeeze %dma_wait3A_29 : memref<1x116x128xi32, #tpu.memory_space<hbm>> -> memref<116x128xi32, #tpu.memory_space<hbm>>
      %dma_wait3A_31 = arith.constant 0 : i32
      %dma_wait3A_32 = arith.constant 0 : i32
      %dma_wait3A_33 = tpu.memref_slice %arg3[%add3A, %dma_wait3A_31, %dma_wait3A_32] : memref<32x116x128xi32, #tpu.memory_space<hbm>> -> memref<1x116x128xi32, #tpu.memory_space<hbm>>
      %dma_wait3A_34 = tpu.memref_squeeze %dma_wait3A_33 : memref<1x116x128xi32, #tpu.memory_space<hbm>> -> memref<116x128xi32, #tpu.memory_space<hbm>>
      tpu.wait_dma2 semaphore(%run_scoped3A : memref<!tpu.dma_semaphore, #tpu.memory_space<semaphore_mem>>) src(%dma_wait3A_34 : memref<116x128xi32, #tpu.memory_space<hbm>>) dst(%arg6 : memref<116x128xi32, #tpu.memory_space<vmem>>)
      tpu.yield
    }) : () -> ()
    %barrier3A = arith.constant 0 : index
    tpu.barrier barrier_id(%barrier3A)
    %eq3A = arith.constant 1 : i32
    %eq3A_5 = arith.cmpi eq, %arg0, %eq3A : i32
    %jit3A = arith.constant 22 : i32
    %jit3A_6 = arith.constant 58 : i32
    %select_n3A = arith.select %eq3A_5, %jit3A, %jit3A_6 : i32
    %while3A = arith.constant 0 : i32
    %while3A_7 = arith.constant 0 : i32
    %while3A_8 = arith.subi %select_n3A, %while3A_7 : i32
    %while3A_9 = arith.addi %while3A_7, %while3A_8 : i32
    %while3A_10 = arith.constant 1 : i32
    %while3A_11 = arith.divsi %while3A_8, %while3A_10 : i32
    %while3A_12 = arith.muli %while3A_11, %while3A_10 : i32
    %while3A_13 = arith.addi %while3A_7, %while3A_12 : i32
    %while3A_14 = arith.constant 1 : i32
    scf.for %while3A_21 = %while3A_7 to %while3A_13 step %while3A_14  : i32 {
      %scan3A = arith.constant 0 : i32
      %scan3A_22 = arith.constant 0 : i32
      %scan3A_23 = arith.constant 16 : i32
      %scan3A_24 = arith.addi %scan3A_22, %scan3A_23 : i32
      %scan3A_25 = arith.constant 1 : i32
      scf.for %scan3A_31 = %scan3A_22 to %scan3A_24 step %scan3A_25  : i32 {
        %mul3A_32 = arith.constant 2 : i32
        %mul3A_33 = arith.muli %while3A_21, %mul3A_32 : i32
        %jit3A_34 = arith.constant 8 : i32
        %div3A = arith.divsi %scan3A_31, %jit3A_34 : i32
        %sign3A = arith.constant 0 : i32
        %sign3A_35 = arith.cmpi sgt, %scan3A_31, %sign3A : i32
        %sign3A_36 = arith.extui %sign3A_35 : i1 to i32
        %sign3A_37 = arith.constant 0 : i32
        %sign3A_38 = arith.cmpi slt, %scan3A_31, %sign3A_37 : i32
        %sign3A_39 = arith.extui %sign3A_38 : i1 to i32
        %sign3A_40 = arith.subi %sign3A_36, %sign3A_39 : i32
        %sign3A_41 = arith.constant 0 : i32
        %sign3A_42 = arith.cmpi sgt, %jit3A_34, %sign3A_41 : i32
        %sign3A_43 = arith.extui %sign3A_42 : i1 to i32
        %sign3A_44 = arith.constant 0 : i32
        %sign3A_45 = arith.cmpi slt, %jit3A_34, %sign3A_44 : i32
        %sign3A_46 = arith.extui %sign3A_45 : i1 to i32
        %sign3A_47 = arith.subi %sign3A_43, %sign3A_46 : i32
        %ne3A = arith.cmpi ne, %sign3A_40, %sign3A_47 : i32
        %rem3A = arith.remsi %scan3A_31, %jit3A_34 : i32
        %ne3A_48 = arith.constant 0 : i32
        %ne3A_49 = arith.cmpi ne, %rem3A, %ne3A_48 : i32
        %and3A = arith.andi %ne3A, %ne3A_49 : i1
        %sub3A = arith.constant 1 : i32
        %sub3A_50 = arith.subi %div3A, %sub3A : i32
        %select_n3A_51 = arith.select %and3A, %sub3A_50, %div3A : i32
        %add3A_52 = arith.addi %mul3A_33, %select_n3A_51 : i32
        %jit3A_53 = arith.constant 8 : i32
        %eq3A_54 = arith.constant 0 : i32
        %eq3A_55 = arith.cmpi eq, %jit3A_53, %eq3A_54 : i32
        %jit3A_56 = arith.constant 1 : i32
        %select_n3A_57 = arith.select %eq3A_55, %jit3A_56, %jit3A_53 : i32
        %rem3A_58 = arith.remsi %scan3A_31, %select_n3A_57 : i32
        %ne3A_59 = arith.constant 0 : i32
        %ne3A_60 = arith.cmpi ne, %rem3A_58, %ne3A_59 : i32
        %lt3A = arith.constant 0 : i32
        %lt3A_61 = arith.cmpi slt, %rem3A_58, %lt3A : i32
        %lt3A_62 = arith.constant 0 : i32
        %lt3A_63 = arith.cmpi slt, %select_n3A_57, %lt3A_62 : i32
        %ne3A_64 = arith.xori %lt3A_61, %lt3A_63 : i1
        %and3A_65 = arith.andi %ne3A_64, %ne3A_60 : i1
        %add3A_66 = arith.addi %rem3A_58, %select_n3A_57 : i32
        %select_n3A_67 = arith.select %and3A_65, %add3A_66, %rem3A_58 : i32
        %mul3A_68 = arith.constant 16 : i32
        %mul3A_69 = arith.muli %select_n3A_67, %mul3A_68 : i32
        %get3A = arith.index_cast %add3A_52 : i32 to index
        %get3A_70 = arith.index_cast %mul3A_69 : i32 to index
        %get3A_71 = tpu.vector_load %arg6[%get3A, %get3A_70] {strides = array<i32>} : memref<116x128xi32, #tpu.memory_space<vmem>>, vector<1x16xi32>,
        %get3A_72 = vector.shape_cast %get3A_71 : vector<1x16xi32> to vector<16xi32>
        %and3A_73 = arith.constant 65535 : i32
        %and3A_74 = vector.broadcast %and3A_73 : i32 to vector<16xi32>
        %and3A_75 = arith.andi %get3A_72, %and3A_74 : vector<16xi32>
        %mul3A_76 = arith.constant 16 : i32
        %mul3A_77 = arith.muli %scan3A_31, %mul3A_76 : i32
        %swap3A = arith.index_cast %mul3A_77 : i32 to index
        %swap3A_78 = tpu.vector_load %arg7[%swap3A] {strides = array<i32>} : memref<256xi32, #tpu.memory_space<vmem>>, vector<16xi32>,
        %swap3A_79 = vector.shape_cast %swap3A_78 : vector<16xi32> to vector<16xi32>
        %swap3A_80 = vector.shape_cast %and3A_75 : vector<16xi32> to vector<16xi32>
        tpu.vector_store %arg7[%swap3A], %swap3A_80 {strides = array<i32>} : memref<256xi32, #tpu.memory_space<vmem>>, vector<16xi32>,
        %shift_right_logical3A = arith.constant 16 : i32
        %shift_right_logical3A_81 = vector.broadcast %shift_right_logical3A : i32 to vector<16xi32>
        %shift_right_logical3A_82 = arith.shrui %get3A_72, %shift_right_logical3A_81 : vector<16xi32>
        %mul3A_83 = arith.constant 16 : i32
        %mul3A_84 = arith.muli %scan3A_31, %mul3A_83 : i32
        %swap3A_85 = arith.index_cast %mul3A_84 : i32 to index
        %swap3A_86 = tpu.vector_load %arg8[%swap3A_85] {strides = array<i32>} : memref<256xi32, #tpu.memory_space<vmem>>, vector<16xi32>,
        %swap3A_87 = vector.shape_cast %swap3A_86 : vector<16xi32> to vector<16xi32>
        %swap3A_88 = vector.shape_cast %shift_right_logical3A_82 : vector<16xi32> to vector<16xi32>
        tpu.vector_store %arg8[%swap3A_85], %swap3A_88 {strides = array<i32>} : memref<256xi32, #tpu.memory_space<vmem>>, vector<16xi32>,
      }
      %scan3A_26 = arith.constant 16 : i32
      %dma_start3A = arith.constant 0 : i32
      %dma_start3A_27 = arith.constant 0 : i32
      %dma_start3A_28 = tpu.memref_slice %arg2[%dma_start3A, %dma_start3A_27] : memref<10240x128xf32, #tpu.memory_space<hbm>> -> memref<10240x128xf32, #tpu.memory_space<hbm>>
      tpu.enqueue_indirect_dma source(%dma_start3A_28 : memref<10240x128xf32, #tpu.memory_space<hbm>>) target(%arg9 : memref<256x128xf32, #tpu.memory_space<vmem>>) offsets(%arg7 : memref<256xi32, #tpu.memory_space<vmem>>) semaphore(%arg11 : memref<!tpu.dma_semaphore, #tpu.memory_space<semaphore_mem>>)
      %dma_wait3A = arith.constant 0 : i32
      %dma_wait3A_29 = arith.constant 0 : i32
      %dma_wait3A_30 = tpu.memref_slice %arg2[%dma_wait3A, %dma_wait3A_29] : memref<10240x128xf32, #tpu.memory_space<hbm>> -> memref<10240x128xf32, #tpu.memory_space<hbm>>
      tpu.wait_indirect_dma semaphore(%arg11 : memref<!tpu.dma_semaphore, #tpu.memory_space<semaphore_mem>>) src(%dma_wait3A_30 : memref<10240x128xf32, #tpu.memory_space<hbm>>) dst(%arg9 : memref<256x128xf32, #tpu.memory_space<vmem>>)
      "tpu.region"() ({
        %run_scoped3A = tpu.sem_alloc : memref<!tpu.dma_semaphore, #tpu.memory_space<semaphore_mem>>
        %dma_start3A_31 = arith.constant 0 : i32
        %dma_start3A_32 = arith.constant 0 : i32
        %dma_start3A_33 = tpu.memref_slice %arg10[%dma_start3A_31, %dma_start3A_32] : memref<10240x128xf32, #tpu.memory_space<vmem_shared>> -> memref<10240x128xf32, #tpu.memory_space<vmem_shared>>
        tpu.enqueue_indirect_dma source(%arg9 : memref<256x128xf32, #tpu.memory_space<vmem>>) target(%dma_start3A_33 : memref<10240x128xf32, #tpu.memory_space<vmem_shared>>) offsets(%arg8 : memref<256xi32, #tpu.memory_space<vmem>>) semaphore(%run_scoped3A : memref<!tpu.dma_semaphore, #tpu.memory_space<semaphore_mem>>) {add = true}
        %dma_wait3A_34 = arith.constant 0 : i32
        %dma_wait3A_35 = arith.constant 0 : i32
        %dma_wait3A_36 = tpu.memref_slice %arg10[%dma_wait3A_34, %dma_wait3A_35] : memref<10240x128xf32, #tpu.memory_space<vmem_shared>> -> memref<10240x128xf32, #tpu.memory_space<vmem_shared>>
        tpu.wait_indirect_dma semaphore(%run_scoped3A : memref<!tpu.dma_semaphore, #tpu.memory_space<semaphore_mem>>) src(%arg9 : memref<256x128xf32, #tpu.memory_space<vmem>>) dst(%dma_wait3A_36 : memref<10240x128xf32, #tpu.memory_space<vmem_shared>>)
        tpu.yield
      }) : () -> ()
    }
    %while3A_15 = arith.constant 1 : i32
    scf.for %while3A_21 = %while3A_13 to %while3A_9 step %while3A_15  : i32 {
      %scan3A = arith.constant 0 : i32
      %scan3A_22 = arith.constant 0 : i32
      %scan3A_23 = arith.constant 16 : i32
      %scan3A_24 = arith.addi %scan3A_22, %scan3A_23 : i32
      %scan3A_25 = arith.constant 1 : i32
      scf.for %scan3A_31 = %scan3A_22 to %scan3A_24 step %scan3A_25  : i32 {
        %mul3A_32 = arith.constant 2 : i32
        %mul3A_33 = arith.muli %while3A_21, %mul3A_32 : i32
        %jit3A_34 = arith.constant 8 : i32
        %div3A = arith.divsi %scan3A_31, %jit3A_34 : i32
        %sign3A = arith.constant 0 : i32
        %sign3A_35 = arith.cmpi sgt, %scan3A_31, %sign3A : i32
        %sign3A_36 = arith.extui %sign3A_35 : i1 to i32
        %sign3A_37 = arith.constant 0 : i32
        %sign3A_38 = arith.cmpi slt, %scan3A_31, %sign3A_37 : i32
        %sign3A_39 = arith.extui %sign3A_38 : i1 to i32
        %sign3A_40 = arith.subi %sign3A_36, %sign3A_39 : i32
        %sign3A_41 = arith.constant 0 : i32
        %sign3A_42 = arith.cmpi sgt, %jit3A_34, %sign3A_41 : i32
        %sign3A_43 = arith.extui %sign3A_42 : i1 to i32
        %sign3A_44 = arith.constant 0 : i32
        %sign3A_45 = arith.cmpi slt, %jit3A_34, %sign3A_44 : i32
        %sign3A_46 = arith.extui %sign3A_45 : i1 to i32
        %sign3A_47 = arith.subi %sign3A_43, %sign3A_46 : i32
        %ne3A = arith.cmpi ne, %sign3A_40, %sign3A_47 : i32
        %rem3A = arith.remsi %scan3A_31, %jit3A_34 : i32
        %ne3A_48 = arith.constant 0 : i32
        %ne3A_49 = arith.cmpi ne, %rem3A, %ne3A_48 : i32
        %and3A = arith.andi %ne3A, %ne3A_49 : i1
        %sub3A = arith.constant 1 : i32
        %sub3A_50 = arith.subi %div3A, %sub3A : i32
        %select_n3A_51 = arith.select %and3A, %sub3A_50, %div3A : i32
        %add3A_52 = arith.addi %mul3A_33, %select_n3A_51 : i32
        %jit3A_53 = arith.constant 8 : i32
        %eq3A_54 = arith.constant 0 : i32
        %eq3A_55 = arith.cmpi eq, %jit3A_53, %eq3A_54 : i32
        %jit3A_56 = arith.constant 1 : i32
        %select_n3A_57 = arith.select %eq3A_55, %jit3A_56, %jit3A_53 : i32
        %rem3A_58 = arith.remsi %scan3A_31, %select_n3A_57 : i32
        %ne3A_59 = arith.constant 0 : i32
        %ne3A_60 = arith.cmpi ne, %rem3A_58, %ne3A_59 : i32
        %lt3A = arith.constant 0 : i32
        %lt3A_61 = arith.cmpi slt, %rem3A_58, %lt3A : i32
        %lt3A_62 = arith.constant 0 : i32
        %lt3A_63 = arith.cmpi slt, %select_n3A_57, %lt3A_62 : i32
        %ne3A_64 = arith.xori %lt3A_61, %lt3A_63 : i1
        %and3A_65 = arith.andi %ne3A_64, %ne3A_60 : i1
        %add3A_66 = arith.addi %rem3A_58, %select_n3A_57 : i32
        %select_n3A_67 = arith.select %and3A_65, %add3A_66, %rem3A_58 : i32
        %mul3A_68 = arith.constant 16 : i32
        %mul3A_69 = arith.muli %select_n3A_67, %mul3A_68 : i32
        %get3A = arith.index_cast %add3A_52 : i32 to index
        %get3A_70 = arith.index_cast %mul3A_69 : i32 to index
        %get3A_71 = tpu.vector_load %arg6[%get3A, %get3A_70] {strides = array<i32>} : memref<116x128xi32, #tpu.memory_space<vmem>>, vector<1x16xi32>,
        %get3A_72 = vector.shape_cast %get3A_71 : vector<1x16xi32> to vector<16xi32>
        %and3A_73 = arith.constant 65535 : i32
        %and3A_74 = vector.broadcast %and3A_73 : i32 to vector<16xi32>
        %and3A_75 = arith.andi %get3A_72, %and3A_74 : vector<16xi32>
        %mul3A_76 = arith.constant 16 : i32
        %mul3A_77 = arith.muli %scan3A_31, %mul3A_76 : i32
        %swap3A = arith.index_cast %mul3A_77 : i32 to index
        %swap3A_78 = tpu.vector_load %arg7[%swap3A] {strides = array<i32>} : memref<256xi32, #tpu.memory_space<vmem>>, vector<16xi32>,
        %swap3A_79 = vector.shape_cast %swap3A_78 : vector<16xi32> to vector<16xi32>
        %swap3A_80 = vector.shape_cast %and3A_75 : vector<16xi32> to vector<16xi32>
        tpu.vector_store %arg7[%swap3A], %swap3A_80 {strides = array<i32>} : memref<256xi32, #tpu.memory_space<vmem>>, vector<16xi32>,
        %shift_right_logical3A = arith.constant 16 : i32
        %shift_right_logical3A_81 = vector.broadcast %shift_right_logical3A : i32 to vector<16xi32>
        %shift_right_logical3A_82 = arith.shrui %get3A_72, %shift_right_logical3A_81 : vector<16xi32>
        %mul3A_83 = arith.constant 16 : i32
        %mul3A_84 = arith.muli %scan3A_31, %mul3A_83 : i32
        %swap3A_85 = arith.index_cast %mul3A_84 : i32 to index
        %swap3A_86 = tpu.vector_load %arg8[%swap3A_85] {strides = array<i32>} : memref<256xi32, #tpu.memory_space<vmem>>, vector<16xi32>,
        %swap3A_87 = vector.shape_cast %swap3A_86 : vector<16xi32> to vector<16xi32>
        %swap3A_88 = vector.shape_cast %shift_right_logical3A_82 : vector<16xi32> to vector<16xi32>
        tpu.vector_store %arg8[%swap3A_85], %swap3A_88 {strides = array<i32>} : memref<256xi32, #tpu.memory_space<vmem>>, vector<16xi32>,
      }
      %scan3A_26 = arith.constant 16 : i32
      %dma_start3A = arith.constant 0 : i32
      %dma_start3A_27 = arith.constant 0 : i32
      %dma_start3A_28 = tpu.memref_slice %arg2[%dma_start3A, %dma_start3A_27] : memref<10240x128xf32, #tpu.memory_space<hbm>> -> memref<10240x128xf32, #tpu.memory_space<hbm>>
      tpu.enqueue_indirect_dma source(%dma_start3A_28 : memref<10240x128xf32, #tpu.memory_space<hbm>>) target(%arg9 : memref<256x128xf32, #tpu.memory_space<vmem>>) offsets(%arg7 : memref<256xi32, #tpu.memory_space<vmem>>) semaphore(%arg11 : memref<!tpu.dma_semaphore, #tpu.memory_space<semaphore_mem>>)
      %dma_wait3A = arith.constant 0 : i32
      %dma_wait3A_29 = arith.constant 0 : i32
      %dma_wait3A_30 = tpu.memref_slice %arg2[%dma_wait3A, %dma_wait3A_29] : memref<10240x128xf32, #tpu.memory_space<hbm>> -> memref<10240x128xf32, #tpu.memory_space<hbm>>
      tpu.wait_indirect_dma semaphore(%arg11 : memref<!tpu.dma_semaphore, #tpu.memory_space<semaphore_mem>>) src(%dma_wait3A_30 : memref<10240x128xf32, #tpu.memory_space<hbm>>) dst(%arg9 : memref<256x128xf32, #tpu.memory_space<vmem>>)
      "tpu.region"() ({
        %run_scoped3A = tpu.sem_alloc : memref<!tpu.dma_semaphore, #tpu.memory_space<semaphore_mem>>
        %dma_start3A_31 = arith.constant 0 : i32
        %dma_start3A_32 = arith.constant 0 : i32
        %dma_start3A_33 = tpu.memref_slice %arg10[%dma_start3A_31, %dma_start3A_32] : memref<10240x128xf32, #tpu.memory_space<vmem_shared>> -> memref<10240x128xf32, #tpu.memory_space<vmem_shared>>
        tpu.enqueue_indirect_dma source(%arg9 : memref<256x128xf32, #tpu.memory_space<vmem>>) target(%dma_start3A_33 : memref<10240x128xf32, #tpu.memory_space<vmem_shared>>) offsets(%arg8 : memref<256xi32, #tpu.memory_space<vmem>>) semaphore(%run_scoped3A : memref<!tpu.dma_semaphore, #tpu.memory_space<semaphore_mem>>) {add = true}
        %dma_wait3A_34 = arith.constant 0 : i32
        %dma_wait3A_35 = arith.constant 0 : i32
        %dma_wait3A_36 = tpu.memref_slice %arg10[%dma_wait3A_34, %dma_wait3A_35] : memref<10240x128xf32, #tpu.memory_space<vmem_shared>> -> memref<10240x128xf32, #tpu.memory_space<vmem_shared>>
        tpu.wait_indirect_dma semaphore(%run_scoped3A : memref<!tpu.dma_semaphore, #tpu.memory_space<semaphore_mem>>) src(%arg9 : memref<256x128xf32, #tpu.memory_space<vmem>>) dst(%dma_wait3A_36 : memref<10240x128xf32, #tpu.memory_space<vmem_shared>>)
        tpu.yield
      }) : () -> ()
    }
    %barrier3A_16 = arith.constant 0 : index
    tpu.barrier barrier_id(%barrier3A_16)
    %mul3A_17 = arith.constant 640 : i32
    %mul3A_18 = arith.muli %arg1, %mul3A_17 : i32
    %mul3A_19 = arith.constant 640 : i32
    %mul3A_20 = arith.muli %arg1, %mul3A_19 : i32
    "tpu.region"() ({
      %run_scoped3A = tpu.sem_alloc : memref<!tpu.dma_semaphore, #tpu.memory_space<semaphore_mem>>
      %dma_start3A = arith.constant 0 : i32
      %dma_start3A_21 = tpu.memref_slice %arg5[%arg0, %mul3A_20, %dma_start3A] : memref<2x10240x128xf32, #tpu.memory_space<hbm>> -> memref<1x640x128xf32, #tpu.memory_space<hbm>>
      %dma_start3A_22 = tpu.memref_squeeze %dma_start3A_21 : memref<1x640x128xf32, #tpu.memory_space<hbm>> -> memref<640x128xf32, #tpu.memory_space<hbm>>
      %dma_start3A_23 = arith.constant 0 : i32
      %dma_start3A_24 = tpu.memref_slice %arg10[%mul3A_18, %dma_start3A_23] : memref<10240x128xf32, #tpu.memory_space<vmem_shared>> -> memref<640x128xf32, #tpu.memory_space<vmem_shared>>
      tpu.enqueue_dma source(%dma_start3A_24 : memref<640x128xf32, #tpu.memory_space<vmem_shared>>) target(%dma_start3A_22 : memref<640x128xf32, #tpu.memory_space<hbm>>) target_semaphore(%run_scoped3A : memref<!tpu.dma_semaphore, #tpu.memory_space<semaphore_mem>>)
      %dma_wait3A = arith.constant 0 : i32
      %dma_wait3A_25 = tpu.memref_slice %arg5[%arg0, %mul3A_20, %dma_wait3A] : memref<2x10240x128xf32, #tpu.memory_space<hbm>> -> memref<1x640x128xf32, #tpu.memory_space<hbm>>
      %dma_wait3A_26 = tpu.memref_squeeze %dma_wait3A_25 : memref<1x640x128xf32, #tpu.memory_space<hbm>> -> memref<640x128xf32, #tpu.memory_space<hbm>>
      %dma_wait3A_27 = arith.constant 0 : i32
      %dma_wait3A_28 = tpu.memref_slice %arg10[%mul3A_18, %dma_wait3A_27] : memref<10240x128xf32, #tpu.memory_space<vmem_shared>> -> memref<640x128xf32, #tpu.memory_space<vmem_shared>>
      tpu.wait_dma2 semaphore(%run_scoped3A : memref<!tpu.dma_semaphore, #tpu.memory_space<semaphore_mem>>) src(%dma_wait3A_28 : memref<640x128xf32, #tpu.memory_space<vmem_shared>>) dst(%dma_wait3A_26 : memref<640x128xf32, #tpu.memory_space<hbm>>)
      tpu.yield
    }) : () -> ()
    return
  }
}

#map = affine_map<(d0, d1) -> (0, 0)>
#map1 = affine_map<(d0, d1) -> (0, 0, 0)>
module attributes {stable_mosaic.version = 14 : i64} {
  func.func @_sc_scatter_rows_body(%arg0: i32, %arg1: i32, %arg2: memref<10240x128xf32, #tpu.memory_space<hbm>>, %arg3: memref<32x116x128xi32, #tpu.memory_space<hbm>>, %arg4: memref<10240x128xf32, #tpu.memory_space<hbm>>, %arg5: memref<2x10240x128xf32, #tpu.memory_space<hbm>>, %arg6: memref<116x128xi32, #tpu.memory_space<vmem>>, %arg7: memref<256xi32, #tpu.memory_space<vmem>>, %arg8: memref<256xi32, #tpu.memory_space<vmem>>, %arg9: memref<256x128xf32, #tpu.memory_space<vmem>>, %arg10: memref<10240x128xf32, #tpu.memory_space<vmem_shared>>, %arg11: memref<!tpu.dma_semaphore, #tpu.memory_space<semaphore_mem>>) attributes {dimension_semantics = [#tpu.dimension_semantics<core_parallel>, #tpu.dimension_semantics<subcore_parallel>], iteration_bounds = array<i64: 2, 16>, scalar_prefetch = 0 : i64, scratch_operands = 6 : i64, tpu.core_type = #tpu.core_type<sc_vector_subcore>, window_params = [{transform_indices = #map}, {transform_indices = #map1}, {transform_indices = #map}, {transform_indices = #map1}]} {
    %mul3A = arith.constant 2 : i32
    %mul3A_0 = arith.muli %arg1, %mul3A : i32
    %add3A = arith.addi %mul3A_0, %arg0 : i32
    %mul3A_1 = arith.constant 640 : i32
    %mul3A_2 = arith.muli %arg1, %mul3A_1 : i32
    %mul3A_3 = arith.constant 640 : i32
    %mul3A_4 = arith.muli %arg1, %mul3A_3 : i32
    "tpu.region"() ({
      %run_scoped3A = tpu.sem_alloc : memref<!tpu.dma_semaphore, #tpu.memory_space<semaphore_mem>>
      %dma_start3A = arith.constant 0 : i32
      %dma_start3A_21 = tpu.memref_slice %arg10[%mul3A_4, %dma_start3A] : memref<10240x128xf32, #tpu.memory_space<vmem_shared>> -> memref<640x128xf32, #tpu.memory_space<vmem_shared>>
      %dma_start3A_22 = arith.constant 0 : i32
      %dma_start3A_23 = tpu.memref_slice %arg4[%mul3A_2, %dma_start3A_22] : memref<10240x128xf32, #tpu.memory_space<hbm>> -> memref<640x128xf32, #tpu.memory_space<hbm>>
      tpu.enqueue_dma source(%dma_start3A_23 : memref<640x128xf32, #tpu.memory_space<hbm>>) target(%dma_start3A_21 : memref<640x128xf32, #tpu.memory_space<vmem_shared>>) target_semaphore(%run_scoped3A : memref<!tpu.dma_semaphore, #tpu.memory_space<semaphore_mem>>)
      %dma_wait3A = arith.constant 0 : i32
      %dma_wait3A_24 = tpu.memref_slice %arg10[%mul3A_4, %dma_wait3A] : memref<10240x128xf32, #tpu.memory_space<vmem_shared>> -> memref<640x128xf32, #tpu.memory_space<vmem_shared>>
      %dma_wait3A_25 = arith.constant 0 : i32
      %dma_wait3A_26 = tpu.memref_slice %arg4[%mul3A_2, %dma_wait3A_25] : memref<10240x128xf32, #tpu.memory_space<hbm>> -> memref<640x128xf32, #tpu.memory_space<hbm>>
      tpu.wait_dma2 semaphore(%run_scoped3A : memref<!tpu.dma_semaphore, #tpu.memory_space<semaphore_mem>>) src(%dma_wait3A_26 : memref<640x128xf32, #tpu.memory_space<hbm>>) dst(%dma_wait3A_24 : memref<640x128xf32, #tpu.memory_space<vmem_shared>>)
      tpu.yield
    }) : () -> ()
    "tpu.region"() ({
      %run_scoped3A = tpu.sem_alloc : memref<!tpu.dma_semaphore, #tpu.memory_space<semaphore_mem>>
      %dma_start3A = arith.constant 0 : i32
      %dma_start3A_21 = arith.constant 0 : i32
      %dma_start3A_22 = tpu.memref_slice %arg3[%add3A, %dma_start3A, %dma_start3A_21] : memref<32x116x128xi32, #tpu.memory_space<hbm>> -> memref<1x116x128xi32, #tpu.memory_space<hbm>>
      %dma_start3A_23 = tpu.memref_squeeze %dma_start3A_22 : memref<1x116x128xi32, #tpu.memory_space<hbm>> -> memref<116x128xi32, #tpu.memory_space<hbm>>
      %dma_start3A_24 = arith.constant 0 : i32
      %dma_start3A_25 = arith.constant 0 : i32
      %dma_start3A_26 = tpu.memref_slice %arg3[%add3A, %dma_start3A_24, %dma_start3A_25] : memref<32x116x128xi32, #tpu.memory_space<hbm>> -> memref<1x116x128xi32, #tpu.memory_space<hbm>>
      %dma_start3A_27 = tpu.memref_squeeze %dma_start3A_26 : memref<1x116x128xi32, #tpu.memory_space<hbm>> -> memref<116x128xi32, #tpu.memory_space<hbm>>
      tpu.enqueue_dma source(%dma_start3A_27 : memref<116x128xi32, #tpu.memory_space<hbm>>) target(%arg6 : memref<116x128xi32, #tpu.memory_space<vmem>>) target_semaphore(%run_scoped3A : memref<!tpu.dma_semaphore, #tpu.memory_space<semaphore_mem>>)
      %dma_wait3A = arith.constant 0 : i32
      %dma_wait3A_28 = arith.constant 0 : i32
      %dma_wait3A_29 = tpu.memref_slice %arg3[%add3A, %dma_wait3A, %dma_wait3A_28] : memref<32x116x128xi32, #tpu.memory_space<hbm>> -> memref<1x116x128xi32, #tpu.memory_space<hbm>>
      %dma_wait3A_30 = tpu.memref_squeeze %dma_wait3A_29 : memref<1x116x128xi32, #tpu.memory_space<hbm>> -> memref<116x128xi32, #tpu.memory_space<hbm>>
      %dma_wait3A_31 = arith.constant 0 : i32
      %dma_wait3A_32 = arith.constant 0 : i32
      %dma_wait3A_33 = tpu.memref_slice %arg3[%add3A, %dma_wait3A_31, %dma_wait3A_32] : memref<32x116x128xi32, #tpu.memory_space<hbm>> -> memref<1x116x128xi32, #tpu.memory_space<hbm>>
      %dma_wait3A_34 = tpu.memref_squeeze %dma_wait3A_33 : memref<1x116x128xi32, #tpu.memory_space<hbm>> -> memref<116x128xi32, #tpu.memory_space<hbm>>
      tpu.wait_dma2 semaphore(%run_scoped3A : memref<!tpu.dma_semaphore, #tpu.memory_space<semaphore_mem>>) src(%dma_wait3A_34 : memref<116x128xi32, #tpu.memory_space<hbm>>) dst(%arg6 : memref<116x128xi32, #tpu.memory_space<vmem>>)
      tpu.yield
    }) : () -> ()
    %barrier3A = arith.constant 0 : index
    tpu.barrier barrier_id(%barrier3A)
    %eq3A = arith.constant 1 : i32
    %eq3A_5 = arith.cmpi eq, %arg0, %eq3A : i32
    %jit3A = arith.constant 22 : i32
    %jit3A_6 = arith.constant 58 : i32
    %select_n3A = arith.select %eq3A_5, %jit3A, %jit3A_6 : i32
    %while3A = arith.constant 0 : i32
    %while3A_7 = arith.constant 0 : i32
    %while3A_8 = arith.subi %select_n3A, %while3A_7 : i32
    %while3A_9 = arith.addi %while3A_7, %while3A_8 : i32
    %while3A_10 = arith.constant 1 : i32
    %while3A_11 = arith.divsi %while3A_8, %while3A_10 : i32
    %while3A_12 = arith.muli %while3A_11, %while3A_10 : i32
    %while3A_13 = arith.addi %while3A_7, %while3A_12 : i32
    %while3A_14 = arith.constant 1 : i32
    scf.for %while3A_21 = %while3A_7 to %while3A_13 step %while3A_14  : i32 {
      %scan3A = arith.constant 0 : i32
      %scan3A_22 = arith.constant 0 : i32
      %scan3A_23 = arith.constant 16 : i32
      %scan3A_24 = arith.addi %scan3A_22, %scan3A_23 : i32
      %scan3A_25 = arith.constant 1 : i32
      scf.for %scan3A_31 = %scan3A_22 to %scan3A_24 step %scan3A_25  : i32 {
        %mul3A_32 = arith.constant 2 : i32
        %mul3A_33 = arith.muli %while3A_21, %mul3A_32 : i32
        %jit3A_34 = arith.constant 8 : i32
        %div3A = arith.divsi %scan3A_31, %jit3A_34 : i32
        %sign3A = arith.constant 0 : i32
        %sign3A_35 = arith.cmpi sgt, %scan3A_31, %sign3A : i32
        %sign3A_36 = arith.extui %sign3A_35 : i1 to i32
        %sign3A_37 = arith.constant 0 : i32
        %sign3A_38 = arith.cmpi slt, %scan3A_31, %sign3A_37 : i32
        %sign3A_39 = arith.extui %sign3A_38 : i1 to i32
        %sign3A_40 = arith.subi %sign3A_36, %sign3A_39 : i32
        %sign3A_41 = arith.constant 0 : i32
        %sign3A_42 = arith.cmpi sgt, %jit3A_34, %sign3A_41 : i32
        %sign3A_43 = arith.extui %sign3A_42 : i1 to i32
        %sign3A_44 = arith.constant 0 : i32
        %sign3A_45 = arith.cmpi slt, %jit3A_34, %sign3A_44 : i32
        %sign3A_46 = arith.extui %sign3A_45 : i1 to i32
        %sign3A_47 = arith.subi %sign3A_43, %sign3A_46 : i32
        %ne3A = arith.cmpi ne, %sign3A_40, %sign3A_47 : i32
        %rem3A = arith.remsi %scan3A_31, %jit3A_34 : i32
        %ne3A_48 = arith.constant 0 : i32
        %ne3A_49 = arith.cmpi ne, %rem3A, %ne3A_48 : i32
        %and3A = arith.andi %ne3A, %ne3A_49 : i1
        %sub3A = arith.constant 1 : i32
        %sub3A_50 = arith.subi %div3A, %sub3A : i32
        %select_n3A_51 = arith.select %and3A, %sub3A_50, %div3A : i32
        %add3A_52 = arith.addi %mul3A_33, %select_n3A_51 : i32
        %jit3A_53 = arith.constant 8 : i32
        %eq3A_54 = arith.constant 0 : i32
        %eq3A_55 = arith.cmpi eq, %jit3A_53, %eq3A_54 : i32
        %jit3A_56 = arith.constant 1 : i32
        %select_n3A_57 = arith.select %eq3A_55, %jit3A_56, %jit3A_53 : i32
        %rem3A_58 = arith.remsi %scan3A_31, %select_n3A_57 : i32
        %ne3A_59 = arith.constant 0 : i32
        %ne3A_60 = arith.cmpi ne, %rem3A_58, %ne3A_59 : i32
        %lt3A = arith.constant 0 : i32
        %lt3A_61 = arith.cmpi slt, %rem3A_58, %lt3A : i32
        %lt3A_62 = arith.constant 0 : i32
        %lt3A_63 = arith.cmpi slt, %select_n3A_57, %lt3A_62 : i32
        %ne3A_64 = arith.xori %lt3A_61, %lt3A_63 : i1
        %and3A_65 = arith.andi %ne3A_64, %ne3A_60 : i1
        %add3A_66 = arith.addi %rem3A_58, %select_n3A_57 : i32
        %select_n3A_67 = arith.select %and3A_65, %add3A_66, %rem3A_58 : i32
        %mul3A_68 = arith.constant 16 : i32
        %mul3A_69 = arith.muli %select_n3A_67, %mul3A_68 : i32
        %get3A = arith.index_cast %add3A_52 : i32 to index
        %get3A_70 = arith.index_cast %mul3A_69 : i32 to index
        %get3A_71 = tpu.vector_load %arg6[%get3A, %get3A_70] {strides = array<i32>} : memref<116x128xi32, #tpu.memory_space<vmem>>, vector<1x16xi32>,
        %get3A_72 = vector.shape_cast %get3A_71 : vector<1x16xi32> to vector<16xi32>
        %and3A_73 = arith.constant 65535 : i32
        %and3A_74 = vector.broadcast %and3A_73 : i32 to vector<16xi32>
        %and3A_75 = arith.andi %get3A_72, %and3A_74 : vector<16xi32>
        %mul3A_76 = arith.constant 16 : i32
        %mul3A_77 = arith.muli %scan3A_31, %mul3A_76 : i32
        %swap3A = arith.index_cast %mul3A_77 : i32 to index
        %swap3A_78 = tpu.vector_load %arg7[%swap3A] {strides = array<i32>} : memref<256xi32, #tpu.memory_space<vmem>>, vector<16xi32>,
        %swap3A_79 = vector.shape_cast %swap3A_78 : vector<16xi32> to vector<16xi32>
        %swap3A_80 = vector.shape_cast %and3A_75 : vector<16xi32> to vector<16xi32>
        tpu.vector_store %arg7[%swap3A], %swap3A_80 {strides = array<i32>} : memref<256xi32, #tpu.memory_space<vmem>>, vector<16xi32>,
        %shift_right_logical3A = arith.constant 16 : i32
        %shift_right_logical3A_81 = vector.broadcast %shift_right_logical3A : i32 to vector<16xi32>
        %shift_right_logical3A_82 = arith.shrui %get3A_72, %shift_right_logical3A_81 : vector<16xi32>
        %mul3A_83 = arith.constant 16 : i32
        %mul3A_84 = arith.muli %scan3A_31, %mul3A_83 : i32
        %swap3A_85 = arith.index_cast %mul3A_84 : i32 to index
        %swap3A_86 = tpu.vector_load %arg8[%swap3A_85] {strides = array<i32>} : memref<256xi32, #tpu.memory_space<vmem>>, vector<16xi32>,
        %swap3A_87 = vector.shape_cast %swap3A_86 : vector<16xi32> to vector<16xi32>
        %swap3A_88 = vector.shape_cast %shift_right_logical3A_82 : vector<16xi32> to vector<16xi32>
        tpu.vector_store %arg8[%swap3A_85], %swap3A_88 {strides = array<i32>} : memref<256xi32, #tpu.memory_space<vmem>>, vector<16xi32>,
      }
      %scan3A_26 = arith.constant 16 : i32
      %dma_start3A = arith.constant 0 : i32
      %dma_start3A_27 = arith.constant 0 : i32
      %dma_start3A_28 = tpu.memref_slice %arg2[%dma_start3A, %dma_start3A_27] : memref<10240x128xf32, #tpu.memory_space<hbm>> -> memref<10240x128xf32, #tpu.memory_space<hbm>>
      tpu.enqueue_indirect_dma source(%dma_start3A_28 : memref<10240x128xf32, #tpu.memory_space<hbm>>) target(%arg9 : memref<256x128xf32, #tpu.memory_space<vmem>>) offsets(%arg7 : memref<256xi32, #tpu.memory_space<vmem>>) semaphore(%arg11 : memref<!tpu.dma_semaphore, #tpu.memory_space<semaphore_mem>>)
      %dma_wait3A = arith.constant 0 : i32
      %dma_wait3A_29 = arith.constant 0 : i32
      %dma_wait3A_30 = tpu.memref_slice %arg2[%dma_wait3A, %dma_wait3A_29] : memref<10240x128xf32, #tpu.memory_space<hbm>> -> memref<10240x128xf32, #tpu.memory_space<hbm>>
      tpu.wait_indirect_dma semaphore(%arg11 : memref<!tpu.dma_semaphore, #tpu.memory_space<semaphore_mem>>) src(%dma_wait3A_30 : memref<10240x128xf32, #tpu.memory_space<hbm>>) dst(%arg9 : memref<256x128xf32, #tpu.memory_space<vmem>>)
      "tpu.region"() ({
        %run_scoped3A = tpu.sem_alloc : memref<!tpu.dma_semaphore, #tpu.memory_space<semaphore_mem>>
        %dma_start3A_31 = arith.constant 0 : i32
        %dma_start3A_32 = arith.constant 0 : i32
        %dma_start3A_33 = tpu.memref_slice %arg10[%dma_start3A_31, %dma_start3A_32] : memref<10240x128xf32, #tpu.memory_space<vmem_shared>> -> memref<10240x128xf32, #tpu.memory_space<vmem_shared>>
        tpu.enqueue_indirect_dma source(%arg9 : memref<256x128xf32, #tpu.memory_space<vmem>>) target(%dma_start3A_33 : memref<10240x128xf32, #tpu.memory_space<vmem_shared>>) offsets(%arg8 : memref<256xi32, #tpu.memory_space<vmem>>) semaphore(%run_scoped3A : memref<!tpu.dma_semaphore, #tpu.memory_space<semaphore_mem>>) {add = true}
        %dma_wait3A_34 = arith.constant 0 : i32
        %dma_wait3A_35 = arith.constant 0 : i32
        %dma_wait3A_36 = tpu.memref_slice %arg10[%dma_wait3A_34, %dma_wait3A_35] : memref<10240x128xf32, #tpu.memory_space<vmem_shared>> -> memref<10240x128xf32, #tpu.memory_space<vmem_shared>>
        tpu.wait_indirect_dma semaphore(%run_scoped3A : memref<!tpu.dma_semaphore, #tpu.memory_space<semaphore_mem>>) src(%arg9 : memref<256x128xf32, #tpu.memory_space<vmem>>) dst(%dma_wait3A_36 : memref<10240x128xf32, #tpu.memory_space<vmem_shared>>)
        tpu.yield
      }) : () -> ()
    }
    %while3A_15 = arith.constant 1 : i32
    scf.for %while3A_21 = %while3A_13 to %while3A_9 step %while3A_15  : i32 {
      %scan3A = arith.constant 0 : i32
      %scan3A_22 = arith.constant 0 : i32
      %scan3A_23 = arith.constant 16 : i32
      %scan3A_24 = arith.addi %scan3A_22, %scan3A_23 : i32
      %scan3A_25 = arith.constant 1 : i32
      scf.for %scan3A_31 = %scan3A_22 to %scan3A_24 step %scan3A_25  : i32 {
        %mul3A_32 = arith.constant 2 : i32
        %mul3A_33 = arith.muli %while3A_21, %mul3A_32 : i32
        %jit3A_34 = arith.constant 8 : i32
        %div3A = arith.divsi %scan3A_31, %jit3A_34 : i32
        %sign3A = arith.constant 0 : i32
        %sign3A_35 = arith.cmpi sgt, %scan3A_31, %sign3A : i32
        %sign3A_36 = arith.extui %sign3A_35 : i1 to i32
        %sign3A_37 = arith.constant 0 : i32
        %sign3A_38 = arith.cmpi slt, %scan3A_31, %sign3A_37 : i32
        %sign3A_39 = arith.extui %sign3A_38 : i1 to i32
        %sign3A_40 = arith.subi %sign3A_36, %sign3A_39 : i32
        %sign3A_41 = arith.constant 0 : i32
        %sign3A_42 = arith.cmpi sgt, %jit3A_34, %sign3A_41 : i32
        %sign3A_43 = arith.extui %sign3A_42 : i1 to i32
        %sign3A_44 = arith.constant 0 : i32
        %sign3A_45 = arith.cmpi slt, %jit3A_34, %sign3A_44 : i32
        %sign3A_46 = arith.extui %sign3A_45 : i1 to i32
        %sign3A_47 = arith.subi %sign3A_43, %sign3A_46 : i32
        %ne3A = arith.cmpi ne, %sign3A_40, %sign3A_47 : i32
        %rem3A = arith.remsi %scan3A_31, %jit3A_34 : i32
        %ne3A_48 = arith.constant 0 : i32
        %ne3A_49 = arith.cmpi ne, %rem3A, %ne3A_48 : i32
        %and3A = arith.andi %ne3A, %ne3A_49 : i1
        %sub3A = arith.constant 1 : i32
        %sub3A_50 = arith.subi %div3A, %sub3A : i32
        %select_n3A_51 = arith.select %and3A, %sub3A_50, %div3A : i32
        %add3A_52 = arith.addi %mul3A_33, %select_n3A_51 : i32
        %jit3A_53 = arith.constant 8 : i32
        %eq3A_54 = arith.constant 0 : i32
        %eq3A_55 = arith.cmpi eq, %jit3A_53, %eq3A_54 : i32
        %jit3A_56 = arith.constant 1 : i32
        %select_n3A_57 = arith.select %eq3A_55, %jit3A_56, %jit3A_53 : i32
        %rem3A_58 = arith.remsi %scan3A_31, %select_n3A_57 : i32
        %ne3A_59 = arith.constant 0 : i32
        %ne3A_60 = arith.cmpi ne, %rem3A_58, %ne3A_59 : i32
        %lt3A = arith.constant 0 : i32
        %lt3A_61 = arith.cmpi slt, %rem3A_58, %lt3A : i32
        %lt3A_62 = arith.constant 0 : i32
        %lt3A_63 = arith.cmpi slt, %select_n3A_57, %lt3A_62 : i32
        %ne3A_64 = arith.xori %lt3A_61, %lt3A_63 : i1
        %and3A_65 = arith.andi %ne3A_64, %ne3A_60 : i1
        %add3A_66 = arith.addi %rem3A_58, %select_n3A_57 : i32
        %select_n3A_67 = arith.select %and3A_65, %add3A_66, %rem3A_58 : i32
        %mul3A_68 = arith.constant 16 : i32
        %mul3A_69 = arith.muli %select_n3A_67, %mul3A_68 : i32
        %get3A = arith.index_cast %add3A_52 : i32 to index
        %get3A_70 = arith.index_cast %mul3A_69 : i32 to index
        %get3A_71 = tpu.vector_load %arg6[%get3A, %get3A_70] {strides = array<i32>} : memref<116x128xi32, #tpu.memory_space<vmem>>, vector<1x16xi32>,
        %get3A_72 = vector.shape_cast %get3A_71 : vector<1x16xi32> to vector<16xi32>
        %and3A_73 = arith.constant 65535 : i32
        %and3A_74 = vector.broadcast %and3A_73 : i32 to vector<16xi32>
        %and3A_75 = arith.andi %get3A_72, %and3A_74 : vector<16xi32>
        %mul3A_76 = arith.constant 16 : i32
        %mul3A_77 = arith.muli %scan3A_31, %mul3A_76 : i32
        %swap3A = arith.index_cast %mul3A_77 : i32 to index
        %swap3A_78 = tpu.vector_load %arg7[%swap3A] {strides = array<i32>} : memref<256xi32, #tpu.memory_space<vmem>>, vector<16xi32>,
        %swap3A_79 = vector.shape_cast %swap3A_78 : vector<16xi32> to vector<16xi32>
        %swap3A_80 = vector.shape_cast %and3A_75 : vector<16xi32> to vector<16xi32>
        tpu.vector_store %arg7[%swap3A], %swap3A_80 {strides = array<i32>} : memref<256xi32, #tpu.memory_space<vmem>>, vector<16xi32>,
        %shift_right_logical3A = arith.constant 16 : i32
        %shift_right_logical3A_81 = vector.broadcast %shift_right_logical3A : i32 to vector<16xi32>
        %shift_right_logical3A_82 = arith.shrui %get3A_72, %shift_right_logical3A_81 : vector<16xi32>
        %mul3A_83 = arith.constant 16 : i32
        %mul3A_84 = arith.muli %scan3A_31, %mul3A_83 : i32
        %swap3A_85 = arith.index_cast %mul3A_84 : i32 to index
        %swap3A_86 = tpu.vector_load %arg8[%swap3A_85] {strides = array<i32>} : memref<256xi32, #tpu.memory_space<vmem>>, vector<16xi32>,
        %swap3A_87 = vector.shape_cast %swap3A_86 : vector<16xi32> to vector<16xi32>
        %swap3A_88 = vector.shape_cast %shift_right_logical3A_82 : vector<16xi32> to vector<16xi32>
        tpu.vector_store %arg8[%swap3A_85], %swap3A_88 {strides = array<i32>} : memref<256xi32, #tpu.memory_space<vmem>>, vector<16xi32>,
      }
      %scan3A_26 = arith.constant 16 : i32
      %dma_start3A = arith.constant 0 : i32
      %dma_start3A_27 = arith.constant 0 : i32
      %dma_start3A_28 = tpu.memref_slice %arg2[%dma_start3A, %dma_start3A_27] : memref<10240x128xf32, #tpu.memory_space<hbm>> -> memref<10240x128xf32, #tpu.memory_space<hbm>>
      tpu.enqueue_indirect_dma source(%dma_start3A_28 : memref<10240x128xf32, #tpu.memory_space<hbm>>) target(%arg9 : memref<256x128xf32, #tpu.memory_space<vmem>>) offsets(%arg7 : memref<256xi32, #tpu.memory_space<vmem>>) semaphore(%arg11 : memref<!tpu.dma_semaphore, #tpu.memory_space<semaphore_mem>>)
      %dma_wait3A = arith.constant 0 : i32
      %dma_wait3A_29 = arith.constant 0 : i32
      %dma_wait3A_30 = tpu.memref_slice %arg2[%dma_wait3A, %dma_wait3A_29] : memref<10240x128xf32, #tpu.memory_space<hbm>> -> memref<10240x128xf32, #tpu.memory_space<hbm>>
      tpu.wait_indirect_dma semaphore(%arg11 : memref<!tpu.dma_semaphore, #tpu.memory_space<semaphore_mem>>) src(%dma_wait3A_30 : memref<10240x128xf32, #tpu.memory_space<hbm>>) dst(%arg9 : memref<256x128xf32, #tpu.memory_space<vmem>>)
      "tpu.region"() ({
        %run_scoped3A = tpu.sem_alloc : memref<!tpu.dma_semaphore, #tpu.memory_space<semaphore_mem>>
        %dma_start3A_31 = arith.constant 0 : i32
        %dma_start3A_32 = arith.constant 0 : i32
        %dma_start3A_33 = tpu.memref_slice %arg10[%dma_start3A_31, %dma_start3A_32] : memref<10240x128xf32, #tpu.memory_space<vmem_shared>> -> memref<10240x128xf32, #tpu.memory_space<vmem_shared>>
        tpu.enqueue_indirect_dma source(%arg9 : memref<256x128xf32, #tpu.memory_space<vmem>>) target(%dma_start3A_33 : memref<10240x128xf32, #tpu.memory_space<vmem_shared>>) offsets(%arg8 : memref<256xi32, #tpu.memory_space<vmem>>) semaphore(%run_scoped3A : memref<!tpu.dma_semaphore, #tpu.memory_space<semaphore_mem>>) {add = true}
        %dma_wait3A_34 = arith.constant 0 : i32
        %dma_wait3A_35 = arith.constant 0 : i32
        %dma_wait3A_36 = tpu.memref_slice %arg10[%dma_wait3A_34, %dma_wait3A_35] : memref<10240x128xf32, #tpu.memory_space<vmem_shared>> -> memref<10240x128xf32, #tpu.memory_space<vmem_shared>>
        tpu.wait_indirect_dma semaphore(%run_scoped3A : memref<!tpu.dma_semaphore, #tpu.memory_space<semaphore_mem>>) src(%arg9 : memref<256x128xf32, #tpu.memory_space<vmem>>) dst(%dma_wait3A_36 : memref<10240x128xf32, #tpu.memory_space<vmem_shared>>)
        tpu.yield
      }) : () -> ()
    }
    %barrier3A_16 = arith.constant 0 : index
    tpu.barrier barrier_id(%barrier3A_16)
    %mul3A_17 = arith.constant 640 : i32
    %mul3A_18 = arith.muli %arg1, %mul3A_17 : i32
    %mul3A_19 = arith.constant 640 : i32
    %mul3A_20 = arith.muli %arg1, %mul3A_19 : i32
    "tpu.region"() ({
      %run_scoped3A = tpu.sem_alloc : memref<!tpu.dma_semaphore, #tpu.memory_space<semaphore_mem>>
      %dma_start3A = arith.constant 0 : i32
      %dma_start3A_21 = tpu.memref_slice %arg5[%arg0, %mul3A_20, %dma_start3A] : memref<2x10240x128xf32, #tpu.memory_space<hbm>> -> memref<1x640x128xf32, #tpu.memory_space<hbm>>
      %dma_start3A_22 = tpu.memref_squeeze %dma_start3A_21 : memref<1x640x128xf32, #tpu.memory_space<hbm>> -> memref<640x128xf32, #tpu.memory_space<hbm>>
      %dma_start3A_23 = arith.constant 0 : i32
      %dma_start3A_24 = tpu.memref_slice %arg10[%mul3A_18, %dma_start3A_23] : memref<10240x128xf32, #tpu.memory_space<vmem_shared>> -> memref<640x128xf32, #tpu.memory_space<vmem_shared>>
      tpu.enqueue_dma source(%dma_start3A_24 : memref<640x128xf32, #tpu.memory_space<vmem_shared>>) target(%dma_start3A_22 : memref<640x128xf32, #tpu.memory_space<hbm>>) target_semaphore(%run_scoped3A : memref<!tpu.dma_semaphore, #tpu.memory_space<semaphore_mem>>)
      %dma_wait3A = arith.constant 0 : i32
      %dma_wait3A_25 = tpu.memref_slice %arg5[%arg0, %mul3A_20, %dma_wait3A] : memref<2x10240x128xf32, #tpu.memory_space<hbm>> -> memref<1x640x128xf32, #tpu.memory_space<hbm>>
      %dma_wait3A_26 = tpu.memref_squeeze %dma_wait3A_25 : memref<1x640x128xf32, #tpu.memory_space<hbm>> -> memref<640x128xf32, #tpu.memory_space<hbm>>
      %dma_wait3A_27 = arith.constant 0 : i32
      %dma_wait3A_28 = tpu.memref_slice %arg10[%mul3A_18, %dma_wait3A_27] : memref<10240x128xf32, #tpu.memory_space<vmem_shared>> -> memref<640x128xf32, #tpu.memory_space<vmem_shared>>
      tpu.wait_dma2 semaphore(%run_scoped3A : memref<!tpu.dma_semaphore, #tpu.memory_space<semaphore_mem>>) src(%dma_wait3A_28 : memref<640x128xf32, #tpu.memory_space<vmem_shared>>) dst(%dma_wait3A_26 : memref<640x128xf32, #tpu.memory_space<hbm>>)
      tpu.yield
    }) : () -> ()
    return
  }
}

module attributes {stable_mosaic.version = 14 : i64} {
  func.func @_t1_body(%arg0: i32, %arg1: memref<1024x128xf32, #tpu.memory_space<vmem>>, %arg2: memref<128x128xf32, #tpu.memory_space<vmem>>, %arg3: memref<1024x32xf32, #tpu.memory_space<vmem>>, %arg4: memref<1024x128xf32, #tpu.memory_space<vmem>>) attributes {dimension_semantics = [#tpu.dimension_semantics<arbitrary>], iteration_bounds = array<i64: 10>, scalar_prefetch = 0 : i64, scratch_operands = 0 : i64, tpu.core_type = #tpu.core_type<tc>, window_params = [{transform_indices = @transform_0, window_bounds = array<i64: 1024, 128>}, {pipeline_mode = #tpu.pipeline_mode<synchronous>, transform_indices = @transform_1, window_bounds = array<i64: 128, 128>}, {transform_indices = @transform_2, window_bounds = array<i64: 1024, 32>}, {transform_indices = @transform_3, window_bounds = array<i64: 1024, 128>}]} {
    %get3A = arith.constant 0 : index
    %get3A_0 = arith.constant 0 : index
    %get3A_1 = vector.load %arg3[%get3A, %get3A_0] : memref<1024x32xf32, #tpu.memory_space<vmem>>, vector<1024x32xf32>
    %reduce_sum3A = arith.constant dense<0.000000e+00> : vector<1024xf32>
    %reduce_sum3A_2 = vector.multi_reduction <add>, %get3A_1, %reduce_sum3A [1] : vector<1024x32xf32> to vector<1024xf32>
    %broadcast_in_dim3A = vector.shape_cast %reduce_sum3A_2 : vector<1024xf32> to vector<1024x1xf32>
    %add3A = arith.constant 1.000000e+00 : f32
    %add3A_3 = vector.broadcast %add3A : f32 to vector<1024x1xf32>
    %add3A_4 = arith.addf %broadcast_in_dim3A, %add3A_3 : vector<1024x1xf32>
    %rsqrt3A = math.rsqrt %add3A_4 : vector<1024x1xf32>
    %get3A_5 = arith.constant 0 : index
    %get3A_6 = arith.constant 0 : index
    %get3A_7 = vector.load %arg1[%get3A_5, %get3A_6] : memref<1024x128xf32, #tpu.memory_space<vmem>>, vector<1024x128xf32>
    %get3A_8 = arith.constant 0 : index
    %get3A_9 = arith.constant 0 : index
    %get3A_10 = vector.load %arg2[%get3A_8, %get3A_9] : memref<128x128xf32, #tpu.memory_space<vmem>>, vector<128x128xf32>
    %dot_general3A = arith.constant dense<0.000000e+00> : vector<1024x128xf32>
    %dot_general3A_11 = tpu.matmul %get3A_7, %get3A_10, %dot_general3A {dimension_numbers = #tpu.dot_dimension_numbers<[1], [0], [0], [1], [0, 0, 1, 1], [], []>, transpose_lhs_hint = false} : vector<1024x128xf32>, vector<128x128xf32>, vector<1024x128xf32> -> vector<1024x128xf32>
    %mul3A = vector.broadcast %rsqrt3A : vector<1024x1xf32> to vector<1024x128xf32>
    %mul3A_12 = arith.mulf %dot_general3A_11, %mul3A : vector<1024x128xf32>
    %swap3A = arith.constant 0 : index
    %swap3A_13 = arith.constant 0 : index
    %swap3A_14 = vector.load %arg4[%swap3A, %swap3A_13] : memref<1024x128xf32, #tpu.memory_space<vmem>>, vector<1024x128xf32>
    tpu.vector_store %arg4[%swap3A, %swap3A_13], %mul3A_12 {strides = array<i32>} : memref<1024x128xf32, #tpu.memory_space<vmem>>, vector<1024x128xf32>,
    return
  }
  func.func @transform_0(%arg0: i32) -> (i32, i32) {
    %c0_i32 = arith.constant 0 : i32
    %c0_i32_0 = arith.constant 0 : i32
    return %arg0, %c0_i32 : i32, i32
  }
  func.func @transform_1(%arg0: i32) -> (i32, i32) {
    %c0_i32 = arith.constant 0 : i32
    %c0_i32_0 = arith.constant 0 : i32
    %c0_i32_1 = arith.constant 0 : i32
    return %c0_i32, %c0_i32_0 : i32, i32
  }
  func.func @transform_2(%arg0: i32) -> (i32, i32) {
    %c0_i32 = arith.constant 0 : i32
    %c0_i32_0 = arith.constant 0 : i32
    return %arg0, %c0_i32 : i32, i32
  }
  func.func @transform_3(%arg0: i32) -> (i32, i32) {
    %c0_i32 = arith.constant 0 : i32
    %c0_i32_0 = arith.constant 0 : i32
    return %arg0, %c0_i32 : i32, i32
  }
}

module attributes {stable_mosaic.version = 14 : i64} {
  func.func @_t2_body(%arg0: i32, %arg1: memref<1024x128xf32, #tpu.memory_space<vmem>>, %arg2: memref<1024x128xf32, #tpu.memory_space<vmem>>, %arg3: memref<1024x128xf32, #tpu.memory_space<vmem>>, %arg4: memref<1024x32xf32, #tpu.memory_space<vmem>>, %arg5: memref<1x128xf32, #tpu.memory_space<vmem>>, %arg6: memref<128x128xf32, #tpu.memory_space<vmem>>, %arg7: memref<1024x128xf32, #tpu.memory_space<vmem>>) attributes {dimension_semantics = [#tpu.dimension_semantics<arbitrary>], iteration_bounds = array<i64: 10>, scalar_prefetch = 0 : i64, scratch_operands = 0 : i64, tpu.core_type = #tpu.core_type<tc>, window_params = [{transform_indices = @transform_0, window_bounds = array<i64: 1024, 128>}, {transform_indices = @transform_1, window_bounds = array<i64: 1024, 128>}, {transform_indices = @transform_2, window_bounds = array<i64: 1024, 128>}, {transform_indices = @transform_3, window_bounds = array<i64: 1024, 32>}, {pipeline_mode = #tpu.pipeline_mode<synchronous>, transform_indices = @transform_4, window_bounds = array<i64: 1, 128>}, {pipeline_mode = #tpu.pipeline_mode<synchronous>, transform_indices = @transform_5, window_bounds = array<i64: 128, 128>}, {transform_indices = @transform_6, window_bounds = array<i64: 1024, 128>}]} {
    %get3A = arith.constant 0 : index
    %get3A_0 = arith.constant 0 : index
    %get3A_1 = vector.load %arg4[%get3A, %get3A_0] : memref<1024x32xf32, #tpu.memory_space<vmem>>, vector<1024x32xf32>
    %reduce_sum3A = arith.constant dense<0.000000e+00> : vector<1024xf32>
    %reduce_sum3A_2 = vector.multi_reduction <add>, %get3A_1, %reduce_sum3A [1] : vector<1024x32xf32> to vector<1024xf32>
    %broadcast_in_dim3A = vector.shape_cast %reduce_sum3A_2 : vector<1024xf32> to vector<1024x1xf32>
    %add3A = arith.constant 1.000000e+00 : f32
    %add3A_3 = vector.broadcast %add3A : f32 to vector<1024x1xf32>
    %add3A_4 = arith.addf %broadcast_in_dim3A, %add3A_3 : vector<1024x1xf32>
    %rsqrt3A = math.rsqrt %add3A_4 : vector<1024x1xf32>
    %get3A_5 = arith.constant 0 : index
    %get3A_6 = arith.constant 0 : index
    %get3A_7 = vector.load %arg1[%get3A_5, %get3A_6] : memref<1024x128xf32, #tpu.memory_space<vmem>>, vector<1024x128xf32>
    %get3A_8 = arith.constant 0 : index
    %get3A_9 = arith.constant 0 : index
    %get3A_10 = vector.load %arg2[%get3A_8, %get3A_9] : memref<1024x128xf32, #tpu.memory_space<vmem>>, vector<1024x128xf32>
    %add3A_11 = arith.addf %get3A_7, %get3A_10 : vector<1024x128xf32>
    %get3A_12 = arith.constant 0 : index
    %get3A_13 = arith.constant 0 : index
    %get3A_14 = vector.load %arg3[%get3A_12, %get3A_13] : memref<1024x128xf32, #tpu.memory_space<vmem>>, vector<1024x128xf32>
    %add3A_15 = arith.addf %add3A_11, %get3A_14 : vector<1024x128xf32>
    %mul3A = vector.broadcast %rsqrt3A : vector<1024x1xf32> to vector<1024x128xf32>
    %mul3A_16 = arith.mulf %mul3A, %add3A_15 : vector<1024x128xf32>
    %get3A_17 = arith.constant 0 : index
    %get3A_18 = arith.constant 0 : index
    %get3A_19 = vector.load %arg5[%get3A_17, %get3A_18] : memref<1x128xf32, #tpu.memory_space<vmem>>, vector<1x128xf32>
    %add3A_20 = vector.broadcast %get3A_19 : vector<1x128xf32> to vector<1024x128xf32>
    %add3A_21 = arith.addf %mul3A_16, %add3A_20 : vector<1024x128xf32>
    %max3A = arith.constant 0.000000e+00 : f32
    %max3A_22 = vector.broadcast %max3A : f32 to vector<1024x128xf32>
    %max3A_23 = arith.maximumf %add3A_21, %max3A_22 : vector<1024x128xf32>
    %get3A_24 = arith.constant 0 : index
    %get3A_25 = arith.constant 0 : index
    %get3A_26 = vector.load %arg6[%get3A_24, %get3A_25] : memref<128x128xf32, #tpu.memory_space<vmem>>, vector<128x128xf32>
    %dot_general3A = arith.constant dense<0.000000e+00> : vector<1024x128xf32>
    %dot_general3A_27 = tpu.matmul %max3A_23, %get3A_26, %dot_general3A {dimension_numbers = #tpu.dot_dimension_numbers<[1], [0], [0], [1], [0, 0, 1, 1], [], []>, transpose_lhs_hint = false} : vector<1024x128xf32>, vector<128x128xf32>, vector<1024x128xf32> -> vector<1024x128xf32>
    %mul3A_28 = vector.broadcast %rsqrt3A : vector<1024x1xf32> to vector<1024x128xf32>
    %mul3A_29 = arith.mulf %dot_general3A_27, %mul3A_28 : vector<1024x128xf32>
    %swap3A = arith.constant 0 : index
    %swap3A_30 = arith.constant 0 : index
    %swap3A_31 = vector.load %arg7[%swap3A, %swap3A_30] : memref<1024x128xf32, #tpu.memory_space<vmem>>, vector<1024x128xf32>
    tpu.vector_store %arg7[%swap3A, %swap3A_30], %mul3A_29 {strides = array<i32>} : memref<1024x128xf32, #tpu.memory_space<vmem>>, vector<1024x128xf32>,
    return
  }
  func.func @transform_0(%arg0: i32) -> (i32, i32) {
    %c0_i32 = arith.constant 0 : i32
    %c0_i32_0 = arith.constant 0 : i32
    return %arg0, %c0_i32 : i32, i32
  }
  func.func @transform_1(%arg0: i32) -> (i32, i32) {
    %c0_i32 = arith.constant 0 : i32
    %c0_i32_0 = arith.constant 0 : i32
    return %arg0, %c0_i32 : i32, i32
  }
  func.func @transform_2(%arg0: i32) -> (i32, i32) {
    %c0_i32 = arith.constant 0 : i32
    %c0_i32_0 = arith.constant 0 : i32
    return %arg0, %c0_i32 : i32, i32
  }
  func.func @transform_3(%arg0: i32) -> (i32, i32) {
    %c0_i32 = arith.constant 0 : i32
    %c0_i32_0 = arith.constant 0 : i32
    return %arg0, %c0_i32 : i32, i32
  }
  func.func @transform_4(%arg0: i32) -> (i32, i32) {
    %c0_i32 = arith.constant 0 : i32
    %c0_i32_0 = arith.constant 0 : i32
    %c0_i32_1 = arith.constant 0 : i32
    return %c0_i32, %c0_i32_0 : i32, i32
  }
  func.func @transform_5(%arg0: i32) -> (i32, i32) {
    %c0_i32 = arith.constant 0 : i32
    %c0_i32_0 = arith.constant 0 : i32
    %c0_i32_1 = arith.constant 0 : i32
    return %c0_i32, %c0_i32_0 : i32, i32
  }
  func.func @transform_6(%arg0: i32) -> (i32, i32) {
    %c0_i32 = arith.constant 0 : i32
    %c0_i32_0 = arith.constant 0 : i32
    return %arg0, %c0_i32 : i32, i32
  }
}

module attributes {stable_mosaic.version = 14 : i64} {
  func.func @_t3_body(%arg0: i32, %arg1: memref<1024x128xf32, #tpu.memory_space<vmem>>, %arg2: memref<1024x128xf32, #tpu.memory_space<vmem>>, %arg3: memref<1024x128xf32, #tpu.memory_space<vmem>>, %arg4: memref<1024x32xf32, #tpu.memory_space<vmem>>, %arg5: memref<1x128xf32, #tpu.memory_space<vmem>>, %arg6: memref<1024x128xf32, #tpu.memory_space<vmem>>, %arg7: memref<1024x128xf32, #tpu.memory_space<vmem>>, %arg8: memref<1024x1xi32, #tpu.memory_space<vmem>>) attributes {dimension_semantics = [#tpu.dimension_semantics<arbitrary>], iteration_bounds = array<i64: 10>, scalar_prefetch = 0 : i64, scratch_operands = 0 : i64, tpu.core_type = #tpu.core_type<tc>, window_params = [{transform_indices = @transform_0, window_bounds = array<i64: 1024, 128>}, {transform_indices = @transform_1, window_bounds = array<i64: 1024, 128>}, {transform_indices = @transform_2, window_bounds = array<i64: 1024, 128>}, {transform_indices = @transform_3, window_bounds = array<i64: 1024, 32>}, {pipeline_mode = #tpu.pipeline_mode<synchronous>, transform_indices = @transform_4, window_bounds = array<i64: 1, 128>}, {transform_indices = @transform_5, window_bounds = array<i64: 1024, 128>}, {transform_indices = @transform_6, window_bounds = array<i64: 1024, 128>}, {transform_indices = @transform_7, window_bounds = array<i64: 1024, 1>}]} {
    %get3A = arith.constant 0 : index
    %get3A_0 = arith.constant 0 : index
    %get3A_1 = vector.load %arg4[%get3A, %get3A_0] : memref<1024x32xf32, #tpu.memory_space<vmem>>, vector<1024x32xf32>
    %reduce_sum3A = arith.constant dense<0.000000e+00> : vector<1024xf32>
    %reduce_sum3A_2 = vector.multi_reduction <add>, %get3A_1, %reduce_sum3A [1] : vector<1024x32xf32> to vector<1024xf32>
    %broadcast_in_dim3A = vector.shape_cast %reduce_sum3A_2 : vector<1024xf32> to vector<1024x1xf32>
    %add3A = arith.constant 1.000000e+00 : f32
    %add3A_3 = vector.broadcast %add3A : f32 to vector<1024x1xf32>
    %add3A_4 = arith.addf %broadcast_in_dim3A, %add3A_3 : vector<1024x1xf32>
    %rsqrt3A = math.rsqrt %add3A_4 : vector<1024x1xf32>
    %get3A_5 = arith.constant 0 : index
    %get3A_6 = arith.constant 0 : index
    %get3A_7 = vector.load %arg1[%get3A_5, %get3A_6] : memref<1024x128xf32, #tpu.memory_space<vmem>>, vector<1024x128xf32>
    %get3A_8 = arith.constant 0 : index
    %get3A_9 = arith.constant 0 : index
    %get3A_10 = vector.load %arg2[%get3A_8, %get3A_9] : memref<1024x128xf32, #tpu.memory_space<vmem>>, vector<1024x128xf32>
    %add3A_11 = arith.addf %get3A_7, %get3A_10 : vector<1024x128xf32>
    %get3A_12 = arith.constant 0 : index
    %get3A_13 = arith.constant 0 : index
    %get3A_14 = vector.load %arg3[%get3A_12, %get3A_13] : memref<1024x128xf32, #tpu.memory_space<vmem>>, vector<1024x128xf32>
    %add3A_15 = arith.addf %add3A_11, %get3A_14 : vector<1024x128xf32>
    %mul3A = vector.broadcast %rsqrt3A : vector<1024x1xf32> to vector<1024x128xf32>
    %mul3A_16 = arith.mulf %mul3A, %add3A_15 : vector<1024x128xf32>
    %get3A_17 = arith.constant 0 : index
    %get3A_18 = arith.constant 0 : index
    %get3A_19 = vector.load %arg5[%get3A_17, %get3A_18] : memref<1x128xf32, #tpu.memory_space<vmem>>, vector<1x128xf32>
    %add3A_20 = vector.broadcast %get3A_19 : vector<1x128xf32> to vector<1024x128xf32>
    %add3A_21 = arith.addf %mul3A_16, %add3A_20 : vector<1024x128xf32>
    %swap3A = arith.constant 0 : index
    %swap3A_22 = arith.constant 0 : index
    %swap3A_23 = vector.load %arg6[%swap3A, %swap3A_22] : memref<1024x128xf32, #tpu.memory_space<vmem>>, vector<1024x128xf32>
    tpu.vector_store %arg6[%swap3A, %swap3A_22], %add3A_21 {strides = array<i32>} : memref<1024x128xf32, #tpu.memory_space<vmem>>, vector<1024x128xf32>,
    %reduce_max3A = arith.constant dense<0xFF800000> : vector<1024xf32>
    %reduce_max3A_24 = vector.multi_reduction <maximumf>, %add3A_21, %reduce_max3A [1] : vector<1024x128xf32> to vector<1024xf32>
    %broadcast_in_dim3A_25 = vector.shape_cast %reduce_max3A_24 : vector<1024xf32> to vector<1024x1xf32>
    %sub3A = vector.broadcast %broadcast_in_dim3A_25 : vector<1024x1xf32> to vector<1024x128xf32>
    %sub3A_26 = arith.subf %add3A_21, %sub3A : vector<1024x128xf32>
    %exp3A = math.exp %sub3A_26 : vector<1024x128xf32>
    %reduce_sum3A_27 = arith.constant dense<0.000000e+00> : vector<1024xf32>
    %reduce_sum3A_28 = vector.multi_reduction <add>, %exp3A, %reduce_sum3A_27 [1] : vector<1024x128xf32> to vector<1024xf32>
    %broadcast_in_dim3A_29 = vector.shape_cast %reduce_sum3A_28 : vector<1024xf32> to vector<1024x1xf32>
    %log3A = math.log %broadcast_in_dim3A_29 : vector<1024x1xf32>
    %add3A_30 = arith.addf %broadcast_in_dim3A_25, %log3A : vector<1024x1xf32>
    %sub3A_31 = vector.broadcast %add3A_30 : vector<1024x1xf32> to vector<1024x128xf32>
    %sub3A_32 = arith.subf %add3A_21, %sub3A_31 : vector<1024x128xf32>
    %swap3A_33 = arith.constant 0 : index
    %swap3A_34 = arith.constant 0 : index
    %swap3A_35 = vector.load %arg7[%swap3A_33, %swap3A_34] : memref<1024x128xf32, #tpu.memory_space<vmem>>, vector<1024x128xf32>
    tpu.vector_store %arg7[%swap3A_33, %swap3A_34], %sub3A_32 {strides = array<i32>} : memref<1024x128xf32, #tpu.memory_space<vmem>>, vector<1024x128xf32>,
    %iota3A = tpu.iota {dimensions = array<i32: 1>} : vector<1024x128xi32>
    %eq3A = vector.broadcast %broadcast_in_dim3A_25 : vector<1024x1xf32> to vector<1024x128xf32>
    %eq3A_36 = arith.cmpf oeq, %add3A_21, %eq3A : vector<1024x128xf32>
    %jit3A = arith.constant 1073741824 : i32
    %broadcast_in_dim3A_37 = vector.broadcast %jit3A : i32 to vector<1024x128xi32>
    %select_n3A = arith.select %eq3A_36, %iota3A, %broadcast_in_dim3A_37 : vector<1024x128xi1>, vector<1024x128xi32>
    %reduce_min3A = arith.constant dense<2147483647> : vector<1024xi32>
    %reduce_min3A_38 = vector.multi_reduction <minsi>, %select_n3A, %reduce_min3A [1] : vector<1024x128xi32> to vector<1024xi32>
    %broadcast_in_dim3A_39 = vector.shape_cast %reduce_min3A_38 : vector<1024xi32> to vector<1024x1xi32>
    %swap3A_40 = arith.constant 0 : index
    %swap3A_41 = arith.constant 0 : index
    %swap3A_42 = vector.load %arg8[%swap3A_40, %swap3A_41] : memref<1024x1xi32, #tpu.memory_space<vmem>>, vector<1024x1xi32>
    tpu.vector_store %arg8[%swap3A_40, %swap3A_41], %broadcast_in_dim3A_39 {strides = array<i32>} : memref<1024x1xi32, #tpu.memory_space<vmem>>, vector<1024x1xi32>,
    return
  }
  func.func @transform_0(%arg0: i32) -> (i32, i32) {
    %c0_i32 = arith.constant 0 : i32
    %c0_i32_0 = arith.constant 0 : i32
    return %arg0, %c0_i32 : i32, i32
  }
  func.func @transform_1(%arg0: i32) -> (i32, i32) {
    %c0_i32 = arith.constant 0 : i32
    %c0_i32_0 = arith.constant 0 : i32
    return %arg0, %c0_i32 : i32, i32
  }
  func.func @transform_2(%arg0: i32) -> (i32, i32) {
    %c0_i32 = arith.constant 0 : i32
    %c0_i32_0 = arith.constant 0 : i32
    return %arg0, %c0_i32 : i32, i32
  }
  func.func @transform_3(%arg0: i32) -> (i32, i32) {
    %c0_i32 = arith.constant 0 : i32
    %c0_i32_0 = arith.constant 0 : i32
    return %arg0, %c0_i32 : i32, i32
  }
  func.func @transform_4(%arg0: i32) -> (i32, i32) {
    %c0_i32 = arith.constant 0 : i32
    %c0_i32_0 = arith.constant 0 : i32
    %c0_i32_1 = arith.constant 0 : i32
    return %c0_i32, %c0_i32_0 : i32, i32
  }
  func.func @transform_5(%arg0: i32) -> (i32, i32) {
    %c0_i32 = arith.constant 0 : i32
    %c0_i32_0 = arith.constant 0 : i32
    return %arg0, %c0_i32 : i32, i32
  }
  func.func @transform_6(%arg0: i32) -> (i32, i32) {
    %c0_i32 = arith.constant 0 : i32
    %c0_i32_0 = arith.constant 0 : i32
    return %arg0, %c0_i32 : i32, i32
  }
  func.func @transform_7(%arg0: i32) -> (i32, i32) {
    %c0_i32 = arith.constant 0 : i32
    %c0_i32_0 = arith.constant 0 : i32
    return %arg0, %c0_i32 : i32, i32
  }
}

</mosaic_0001>

<sc_bundles>
// kernel: kernel.11.cloned.1.call-start
scs
__scs_entry_jumppad:
0x0: {  	(pc) =	sbr.rel $0x88, $3  }
0x1: {  	(tag) =	ssettag $0x0;
	lr =	simm.s32 $0x1  }
0x2: {  	[smem:$0x3F9B] =	sst lr;
	_ =	strace $0xD0000000  }
0x3: {  	_ = 	snop  }
0x4: {  	_ = 	snop  }
0x5: {  	_ = 	snop  }
0x6: {  	_ = 	snop  }
0x7: {  	_ = 	snop  }
__scs_overlays_trampoline_lowered:
0x8: {  	[smem:$0x3FAA] =	sst s0  }
0x9: {  	[smem:$0x3FAB] =	sst s1  }
0xa: {  	[smem:$0x3FAC] =	sst s2  }
0xb: {  	[smem:$0x3FAD] =	sst s3  }
0xc: {  	[smem:$0x3FAE] =	sst s4  }
0xd: {  	[smem:$0x3FAF] =	sst s5  }
0xe: {  	[smem:$0x3FB0] =	sst s6  }
0xf: {  	[smem:$0x3FB1] =	sst s7  }
0x10: {  	[smem:$0x3FB2] =	sst s8  }
0x11: {  	[smem:$0x3FB3] =	sst s9;
	s0 =	simm.s32 @!p0 $0x0  }
0x12: {  	s1 =	sld [smem:$0x3F99];
	s0 =	simm.s32 @p0 $0x1  }
0x13: {  	[smem:$0x3FB4] =	sst s0;
	s0 =	simm.s32 @!p1 $0x0  }
0x14: {  	s2 =	sld [smem:$0x3F98];
	s0 =	simm.s32 @p1 $0x1  }
0x15: {  	[smem:$0x3FB5] =	sst s0;
	s0 =	simm.s32 @!p2 $0x0  }
0x16: {  	s3 =	sld [smem:$0x3FDB];
	s0 =	simm.s32 @p2 $0x1  }
0x17: {  	s4 =	simm.s32 $0x1BF5;
	[smem:$0x3FB7] =	sst s0  }
0x18: {  	s0 =	sld [smem:$0x3F9A];
	_ =	swait.ge [sflag:s4], $0x0  }
0x19: {  	s7 =	sld [smem:$0x3F9B]  }
0x1a: {  	s8 =	sadd.s32 $0xFFFFE003, lr  }
0x1b: {  	s9 =	sadd.s32 $0xFFFFFEF7, lr;
	s5 =	simm.s32 $0xFFFFFFFF;
	p2 =	slt.u32 s8, $0xFFFFF086  }
0x1c: {  	p1 =	slt.u32 s9, $0xF7A;
	s5 =	simm.s32 @!p2 $0x0  }
0x1d: {  	s5 =	simm.s32 @p1 $0x1;
	p0 =	seq.s32 s7, s2  }
0x1e: {  	s7 =	smul.u32 @!p0 $0xF7A, s2;
	p2 =	seq.s32 @!p0 s5, $0x0  }
0x1f: {  	s9 =	smul.u32 $0xF7A, s1;
	s8 =	simm.s32 @!p0 $0x1BF5;
	p2 =	por !p2, p0  }
0x20: {  	[sflag:s8] =	ssyncset.s32 @!p0 $0xFFFFF086;
	s6 =	sadd.s32 @!p0 s3, s7;
	s7 =	simm.s32 @!p0 $0x108  }
0x21: {  	s3 =	sadd.s32 s3, s9;
	s6 =	sadd.s32 @!p0 $0x88, s6;
	s7 =	simm.s32 @p2 $0x1082  }
0x22: {  	[simem:s7], [sflag:s8] =	dma.local @!p0 [hbm:s6], $0xF7A  }
0x23: {  	s9 =	sor.u32 $0xD0000000, s2;
	s6 =	simm.s32 $0x108;
	_ =	swait.ge @!p0 [sflag:s8], $0x0  }
0x24: {  	s3 =	sadd.s32 $0x88, s3;
	s6 =	simm.s32 @!p1 $0x1082;
	[sflag:s4] =	ssyncset.s32 $0xFFFFF086  }
0x25: {  	[simem:s6], [sflag:s4] =	dma.local [hbm:s3], $0xF7A  }
0x26: {  	[smem:$0x3F9B] =	sst s1;
	(tag) =	ssettag s2;
	_ =	strace s9  }
0x27: {  	s1 =	sld [smem:$0x3FAB]  }
0x28: {  	s2 =	sld [smem:$0x3FAC]  }
0x29: {  	s4 =	sld [smem:$0x3FAE]  }
0x2a: {  	p0 =	seq.s32 s5, $0x0;
	s5 =	sld [smem:$0x3FAF]  }
0x2b: {  	s6 =	sld [smem:$0x3FB0]  }
0x2c: {  	s7 =	sld [smem:$0x3FB1]  }
0x2d: {  	s3 =	simm.s32 $0x108;
	s8 =	sld [smem:$0x3FB2]  }
0x2e: {  	s3 =	simm.s32 @!p0 $0x1082;
	s9 =	sld [smem:$0x3FB3]  }
0x2f: {  	lr =	sadd.s32 s0, s3;
	s0 =	sld [smem:$0x3FAA]  }
0x30: {  	s3 =	sld [smem:$0x3FAD]  }
0x31: {  	[smem:$0x3FB6] =	sst s10  }
0x32: {  	s10 =	sld [smem:$0x3FB4];
	_ =	sdelay $0x3  }
0x33: {  	p0 =	seq.s32 s10, $0x1;
	s10 =	sld [smem:$0x3FB6];
	_ =	sdelay $0x3  }
0x34: {  	[smem:$0x3FB6] =	sst s10  }
0x35: {  	s10 =	sld [smem:$0x3FB5];
	_ =	sdelay $0x3  }
0x36: {  	p1 =	seq.s32 s10, $0x1;
	s10 =	sld [smem:$0x3FB6];
	_ =	sdelay $0x3  }
0x37: {  	[smem:$0x3FB6] =	sst s10  }
0x38: {  	s10 =	sld [smem:$0x3FB7]  }
0x39: {  	_ = 	snop;
	(pc) =	sbr.ind lr, $3  }
0x3a: {  	_ = 	snop  }
0x3b: {  	_ = 	snop  }
0x3c: {  	p2 =	seq.s32 s10, $0x1;
	s10 =	sld [smem:$0x3FB6]  }
0x3d: {  	_ =	shalt  }
0x3e: {  	_ =	shalt  }
0x3f: {  	_ =	shalt  }
0x40: {  	_ =	shalt  }
0x41: {  	_ =	shalt  }
0x42: {  	_ =	shalt  }
0x43: {  	_ =	shalt  }
0x44: {  	_ =	shalt  }
0x45: {  	_ =	shalt  }
0x46: {  	_ =	shalt  }
0x47: {  	_ =	shalt  }
0x48: {  	_ =	shalt  }
0x49: {  	_ =	shalt  }
0x4a: {  	_ =	shalt  }
0x4b: {  	_ =	shalt  }
0x4c: {  	_ =	shalt  }
0x4d: {  	_ =	shalt  }
0x4e: {  	_ =	shalt  }
0x4f: {  	_ =	shalt  }
0x50: {  	_ =	shalt  }
0x51: {  	_ =	shalt  }
0x52: {  	_ =	shalt  }
0x53: {  	_ =	shalt  }
0x54: {  	_ =	shalt  }
0x55: {  	_ =	shalt  }
0x56: {  	_ =	shalt  }
0x57: {  	_ =	shalt  }
0x58: {  	_ =	shalt  }
0x59: {  	_ =	shalt  }
0x5a: {  	_ =	shalt  }
0x5b: {  	_ =	shalt  }
0x5c: {  	_ =	shalt  }
0x5d: {  	_ =	shalt  }
0x5e: {  	_ =	shalt  }
0x5f: {  	_ =	shalt  }
0x60: {  	_ =	shalt  }
0x61: {  	_ =	shalt  }
0x62: {  	_ =	shalt  }
0x63: {  	_ =	shalt  }
0x64: {  	_ =	shalt  }
0x65: {  	_ =	shalt  }
0x66: {  	_ =	shalt  }
0x67: {  	_ =	shalt  }
0x68: {  	_ =	shalt  }
0x69: {  	_ =	shalt  }
0x6a: {  	_ =	shalt  }
0x6b: {  	_ =	shalt  }
0x6c: {  	_ =	shalt  }
0x6d: {  	_ =	shalt  }
0x6e: {  	_ =	shalt  }
0x6f: {  	_ =	shalt  }
0x70: {  	_ =	shalt  }
0x71: {  	_ =	shalt  }
0x72: {  	_ =	shalt  }
0x73: {  	_ =	shalt  }
0x74: {  	_ =	shalt  }
0x75: {  	_ =	shalt  }
0x76: {  	_ =	shalt  }
0x77: {  	_ =	shalt  }
0x78: {  	_ =	shalt  }
0x79: {  	_ =	shalt  }
0x7a: {  	_ =	shalt  }
0x7b: {  	_ =	shalt  }
0x7c: {  	_ =	shalt  }
0x7d: {  	_ =	shalt  }
0x7e: {  	_ =	shalt  }
0x7f: {  	_ =	shalt  }
0x80: {  	_ =	shalt  }
0x81: {  	_ =	shalt  }
0x82: {  	_ =	shalt  }
0x83: {  	_ =	shalt  }
0x84: {  	_ =	shalt  }
0x85: {  	_ =	shalt  }
0x86: {  	_ =	shalt  }
0x87: {  	_ =	shalt  }
.Lfunc_end0:
.L_simem_size_0:
called_computation.1_lowered:
.L_overlay_start_0:
0x88: {  	s2 =	sld [smem:$0x3FD9]  }
0x89: {  	s3 =	sld [smem:$0x3FFE];
	_ =	sdelay $0x1  }
0x8a: {  	s1 =	srdreg.scid  }
0x8b: {  	s0 =	sand.u32 $0x1, s1  }
0x8c: {  	s14 =	sshll.u32 s0, $0xA;
	s2 =	sadd.s32 s3, s2  }
0x8d: {  	s2 =	sadd.s32 s2, s14  }
0x8e: {  	[smem:$0x3FC2] =	sst s2  }
0x8f: {  	_ = 	snop  }
0x90: {  	s2 =	sld [smem:$0x3FD0];
	_ =	sdelay $0x2  }
0x91: {  	s15 =	simm.s32 $0xA;
	s4 =	simm.s32 $0x10  }
0x92: {  	[smem:s4], [sflag:s15] =	dma.local [hbm:s2], $0x1  }
0x93: {  	_ =	swait.eq [sflag:s15], $0x1  }
0x94: {  	[sflag:s15] =	ssyncset.done $0x0  }
0x95: {  	[sflag:s15] =	ssyncadd.s32 $0xFFFFFFFF  }
0x96: {  	s16 =	sld [smem:$0x11];
	(tm) =	ssettm $0x1  }
0x97: {  	s17 =	sld [smem:$0x3FFB];
	_ =	sdelay $0x3  }
0x98: {  	_ =	strace s17  }
0x99: {  	s3 =	sld [smem:$0x3FFC];
	_ =	sdelay $0x3  }
0x9a: {  	_ =	strace s3  }
0x9b: {  	s3 =	sld [smem:$0x3FFD];
	_ =	sdelay $0x3  }
0x9c: {  	_ =	strace s3  }
0x9d: {  	_ =	strace $0x8FFFFFFF  }
0x9e: {  	s18 =	sld [smem:$0x3FDB];
	_ =	sdelay $0x1  }
0x9f: {  	s19 =	simm.s32 $_scs_section_size  }
0xa0: {  	s5 =	simm.s32 $_size__tile_overlayer_lowered;
	s6 =	simm.s32 $_tile_overlayer_lowered  }
0xa1: {  	s22 =	simm.s32 $0x1BFF;
	s21 =	sshll.u32 s6, $0x1;
	s3 =	sadd.s32 s19, s18  }
0xa2: {  	s7 =	simm.s32 $0x0;
	s20 =	sshll.u32 s5, $0x1;
	s5 =	sadd.s32 s21, s3  }
0xa3: {  	[timem:s7], [sflag:s22] =	dma.local [hbm:s5], s20  }
0xa4: {  	_ =	swait.ge [sflag:s22], s20  }
0xa5: {  	s4 =	ssub.s32 $0x0, s20;
	[sflag:s22] =	ssyncset.done $0x0  }
0xa6: {  	[sflag:s22] =	ssyncadd.s32 s4;
	_ =	sdelay $0x1  }
0xa7: {  	s23 =	simm.s32 $0x1B8B  }
0xa8: {  	_ =	swait.ge [sflag:s23], $0x1  }
0xa9: {  	[sflag:s23] =	ssyncset.done $0x0  }
0xaa: {  	s25 =	simm.s32 $0x1B8E;
	s24 =	sld [smem:$0x3FFE];
	[sflag:s23] =	ssyncadd.s32 $0xFFFFFFFF  }
0xab: {  	s26 =	simm.s32 $execute0_lowered;
	[smem:$0x3FD2] =	sst s25  }
0xac: {  	s5 =	sshll.u32 s26, $0x1;
	_ =	strace $0x80000049;
	[dreg:$0x1] =	wrdreg $0xFFFFFFFF  }
0xad: {  	s28 =	simm.s32 $_size_execute0_lowered;
	s3 =	sadd.s32 s3, s5;
	[dreg:$0x0] =	wrdreg $0x0  }
0xae: {  	s5 =	sshll.u32 s28, $0x1;
	[dreg:$0x2] =	wrdreg s3  }
0xaf: {  	[dreg:$0x3] =	wrdreg s5  }
0xb0: {  	[dreg:$0x4] =	wrdreg $0xC0  }
0xb1: {  	_ =	task [dreg:s7], $0x5FFFF  }
0xb2: {  	[dreg:$0x1] =	wrdreg $0xFFFFFFFF  }
0xb3: {  	[dreg:$0x0] =	wrdreg $0x60  }
0xb4: {  	[dreg:$0x2] =	wrdreg s24  }
0xb5: {  	[dreg:$0x3] =	wrdreg s16  }
0xb6: {  	[dreg:$0x4] =	wrdreg $0xBE000  }
0xb7: {  	[dreg:$0x5] =	wrdreg $0x9  }
0xb8: {  	_ =	task.clear_ibuf [dreg:s7], $0x6FFFF;
	_ =	strace $0x90000049  }
0xb9: {  	s29 =	simm.s32 $0x9;
	_ =	strace $0x8000004B  }
0xba: {  	_ =	swait.ge [sflag:s29], $0x1  }
0xbb: {  	[sflag:s29] =	ssyncadd.s32 $0xFFFFFFFF  }
0xbc: {  	_ =	strace $0x9000004B  }
0xbd: {  	_ =	sfence  }
0xbe: {  	s30 =	sld [smem:$0x0];
	_ =	sdelay $0x2  }
0xbf: {  	s31 =	sshll.u32 s1, $0xD;
	s1 =	sshrl.u32 s1, $0x2  }
0xc0: {  	s3 =	sand.u32 $0x4000, s31;
	s1 =	sadd.s32 s1, s30  }
0xc1: {  	s0 =	sor.u32 s3, s0;
	s1 =	sshll.u32 s1, $0x11  }
0xc2: {  	s0 =	sor.u32 s1, s0  }
0xc3: {  	s0 =	sadd.s32 $0x8F2B, s0  }
0xc4: {  	[sflag:s0] =	ssyncadd.remote.s32 $0x1  }
0xc5: {  	_ =	sfence.sel $0xFFFF  }
0xc6: {  	[dreg:$0x0] =	wrdreg $0xFFFFFFFF;
	(pc) =	sbr.abs _section_cstart, $3  }
0xc7: {  	[dreg:$0x1] =	wrdreg $0xFFFFFFFF  }
0xc8: {  	_ =	task.clear_ibuf [dreg:s7], $0x2FFFF;
	_ =	strace $0x9FFFFFFF  }
0xc9: {  	(tm) =	ssettm $0x7FFFFFFF  }
tec
execute0_lowered:
.L_overlay_start_1:
0x0: {  	(tag) =	ssettag $0x1  }
0x1: {  	s5 =	rddreg [dreg:$0x0]  }
0x2: {  	s8 =	rddreg [dreg:$0x1];
	s0 =	stileid.u32  }
0x3: {  	s1 =	srdreg.scid;
	s2 =	rddreg [dreg:$0x2]  }
0x4: {  	s3 =	simm.s32 $0x0;
	s14 =	simm.s32 $0x3C00;
	s15 =	simm.s32 $0x3E00  }
0x5: {  	s16 =	simm.s32 $0x1;
	s17 =	simm.s32 $0x3D00;
	s18 =	simm.s32 $0x0  }
0x6: {  	s6 =	smul.u32 $0x14000, s0;
	s7 =	sand.u32 $0x1, s1;
	s1 =	rddreg [dreg:$0x3]  }
0x7: {  	[smem:$0x7FF] =	sst s3;
	s4 =	sadd.s32 $0x2A400, s5;
	s10 =	smul.u32 $0x50000, s0  }
0x8: {  	s12 =	sshll.u32 s0, $0x1;
	s31 =	sshll.u32 s0, $0x6;
	s9 =	smul.u32 $0x140000, s7  }
0x9: {  	_ =	strace $0x8000004A;
	s29 =	ssub.s32 $0x2, s7;
	s30 =	sor.u32 s7, s12  }
0xa: {  	p0 =	seq.s32 s7, $0x0;
	s7 =	simm.s32 $0x3A;
	s12 =	simm.s32 $0x2  }
0xb: {  	s11 =	sshrl.u32 s29, $0x1;
	s10 =	sshrl.u32 s10, $0x2;
	s7 =	simm.s32 @!p0 $0x16  }
0xc: {  	s9 =	sadd.s32 s6, s9;
	s6 =	sshrl.u32 s6, $0x3;
	s13 =	sadd.s32 s10, s2  }
0xd: {  	s10 =	smul.u32 $0x780, s30;
	s9 =	sshrl.u32 s9, $0x3;
	s6 =	sadd.s32 s6, s5  }
0xe: {  	s11 =	ssub.s32 s29, s11;
	s9 =	sadd.s32 s9, s5;
	s5 =	sadd.s32 $0x52400, s6  }
0xf: {  	s6 =	sor.u32 $0x1C02, s31;
	s8 =	sadd.s32 s8, s10;
	s10 =	smax.u32 s11, $0x1  }
0x10: {  	s11 =	sshrl.u32 s13, $0x3;
	s13 =	simm.s32 $0x100;
	s9 =	sadd.s32 $0x7A400, s9  }
.LBB2_1:
0x11: {  	[spmem:s11], [sflag:s6] =	dma.local [hbm:s5], $0x2800  }
0x12: {  	_ =	swait.ge [sflag:s12], $0x2800  }
0x13: {  	[sflag:s12] =	ssyncset.done $0x0  }
0x14: {  	[sflag:s12] =	ssyncadd.s32 $0xFFFFD800  }
0x15: {  	[tilespmem:s3], [sflag:$0x2] =	stream.linear.gather [hbm4b:s8+s3], $0x3A00, $0x38;
	[tilespmem:$0x1FE00] =	vst v63  }
0x16: {  	_ =	swait.ge [sflag:s12], $0x3A00  }
0x17: {  	[sflag:s12] =	ssyncset.done $0x0  }
0x18: {  	[sflag:s12] =	ssyncadd.s32 $0xFFFFC600  }
0x19: {  	s19 =	simm.s32 $0x0;
	[bflag:$0x0] =	sbarrier.arrive $0xFFFF  }
.LBB2_2:
0x1a: {  	s22 =	simm.s32 $0x0  }
0x1b: {  	s20 =	sshll.u32 s19, $0xA;
	s23 =	sand.u32 $0x200, s22  }
0x1c: {  	s21 =	sshra.s32 s20, $0x2;
	s30 =	sshrl.u32 s23, $0x2  }
0x1d: {  	s31 =	sand.u32 $0x70, s22;
	s20 =	sadd.s32 s30, s21  }
0x1e: {  	s24 =	sadd.s32 s31, s20  }
0x1f: {  	v0 =	vld [tilespmem:s24+$0x0];
	_ =	sdelay $0x2  }
0x20: {  	s20 =	simm.s32 $0x40  }
0x21: {  	s23 =	simm.s32 $0x10;
	s25 =	sand.u32 $0x200, s20;
	s24 =	simm.s32 $0x20  }
.LBB2_3:
0x22: {  	p0 =	sne.s32 s24, $0xF0;
	s25 =	sshrl.u32 s25, $0x2;
	v1 =	vand.u32 $0xFFFF, v0;
	s26 =	sshra.s32 s22, $0x2;
	v0 =	vshrl.u32 v0, $0x10  }
0x23: {  	s23 =	sand.u32 $0x70, s23;
	s22 =	smov.u32 s20;
	s25 =	sadd.s32 s25, s21;
	[tilespmem:s26+$0x3C00] =	vst v1  }
0x24: {  	s25 =	sadd.s32 s23, s25;
	[tilespmem:s26+$0x3D00] =	vst v0;
	s23 =	smov.u32 s24  }
.Ltmp0:
0x25: {  	v0 =	vld [tilespmem:s25+$0x0];
	(pc) =	sbr.rel @p0 .LBB2_3-.Ltmp0, $3  }
0x26: {  	_ =	sdelay $0x1  }
0x27: {  	s20 =	sadd.s32 $0x40, s20  }
0x28: {  	s24 =	sadd.s32 $0x10, s24;
	s25 =	sand.u32 $0x200, s20  }
0x29: {  	s24 =	sshrl.u32 s25, $0x2;
	v1 =	vand.u32 $0xFFFF, v0;
	s22 =	sshra.s32 s22, $0x2  }
0x2a: {  	v62 =	vshrl.u32 v0, $0x10;
	s23 =	sand.u32 $0x70, s23;
	s21 =	sadd.s32 s24, s21;
	[tilespmem:s22+$0x3C00] =	vst v1  }
0x2b: {  	[tilespmem:s22+$0x3D00] =	vst v62;
	s21 =	sadd.s32 s23, s21  }
0x2c: {  	v0 =	vld [tilespmem:s21+$0x0];
	_ =	sdelay $0x4  }
0x2d: {  	s20 =	sshra.s32 s20, $0x2;
	v63 =	vand.u32 $0xFFFF, v0  }
0x2e: {  	v0 =	vshrl.u32 v0, $0x10;
	[tilespmem:s20+$0x3C00] =	vst v63  }
0x2f: {  	[tilespmem:s20+$0x3D00] =	vst v0  }
0x30: {  	[tilespmem:s15], [sflag:$0x1] =	stream.indirect.gather [hbm4b:s4+s13], $0x80, s14, s13, $0xb8;
	[tilespmem:$0x1FE00] =	vst v63  }
0x31: {  	s19 =	sadd.s32 $0x1, s19;
	_ =	swait.ge [sflag:s16], $0x8000  }
0x32: {  	p0 =	sne.s32 s19, s7;
	[sflag:s16] =	ssyncset.done $0x0  }
.Ltmp1:
0x33: {  	[sflag:s16] =	ssyncadd.s32 $0xFFFF8000;
	(pc) =	sbr.rel @p0 .LBB2_2-.Ltmp1, $4  }
0x34: {  	[spmem:s2] =	stream.indirect.scatter.add.f32 [tilespmem:s15], [sflag:$0x2], $0x80, s17, s13, $0xb8;
	[tilespmem:$0x1FE00] =	vst v63  }
0x35: {  	_ =	swait.ge [sflag:s12], $0x8000  }
0x36: {  	[sflag:s12] =	ssyncset.done $0x0  }
0x37: {  	[sflag:s12] =	ssyncadd.s32 $0xFFFF8000  }
0x38: {  	s18 =	sadd.s32 $0x1, s18  }
0x39: {  	p0 =	sne.s32 s18, s10  }
.Ltmp2:
0x3a: {  	[bflag:$0x0] =	sbarrier.arrive $0xFFFF;
	(pc) =	sbr.rel @p0 .LBB2_1-.Ltmp2, $4  }
0x3b: {  	[hbm:s9], [sflag:s6] =	dma.local [spmem:s11], $0x2800  }
0x3c: {  	_ =	swait.ge [sflag:s12], $0x2800  }
0x3d: {  	[sflag:s12] =	ssyncset.done $0x0  }
0x3e: {  	[sflag:s12] =	ssyncadd.s32 $0xFFFFD800  }
0x3f: {  	_ =	sfence.sel $0x180000  }
0x40: {  	[bflag:$0x0] =	sbarrier.arrive $0xFFFF  }
0x41: {  	p0 =	sne.s32 s0, $0x0;
	_ =	strace $0x9000004A  }
0x42: {  	s0 =	sadd.s32 @!p0 $0x100000, s1;
	[bflag:$0x2] =	sbarrier.arrive $0xFFFF  }
0x43: {  	[sflag:s0] =	ssyncadd.tile.s32 @!p0 $0x1;
	_ =	shalt  }
.Lfunc_end2:
_tile_overlayer_lowered:
.L_overlay_start_2:
0x44: {  	(tag) =	ssettag $0x2  }
0x45: {  	s0 =	rddreg [dreg:$0x0];
	s2 =	stileid.u32  }
0x46: {  	s1 =	rddreg [dreg:$0x1];
	p0 =	sne.s32 s2, $0x0  }
0x47: {  	s3 =	rddreg [dreg:$0x2];
	[bflag:$0x3] =	sbarrier.arrive $0xFFFF;
	s2 =	simm.s32 @!p0 $0x1C02  }
0x48: {  	[timem:s3], [sflag:s2] =	dma.local @!p0 [hbm:s0], s1  }
0x49: {  	s0 =	simm.s32 @!p0 $0x2  }
0x4a: {  	_ =	swait.ge @!p0 [sflag:s0], s1  }
0x4b: {  	s1 =	ssub.s32 @!p0 $0x0, s1;
	[sflag:s0] =	ssyncset.done @!p0 $0x0  }
0x4c: {  	[sflag:s0] =	ssyncadd.s32 @!p0 s1  }
0x4d: {  	[bflag:$0x3] =	sbarrier.arrive $0xFFFF  }
0x4e: {  	_ =	shalt  }

// kernel: kernel.14.cloned.1.call-start
scs
__scs_entry_jumppad:
0x0: {  	(pc) =	sbr.rel $0x88, $3  }
0x1: {  	(tag) =	ssettag $0x0;
	lr =	simm.s32 $0x1  }
0x2: {  	[smem:$0x3F9B] =	sst lr;
	_ =	strace $0xD0000000  }
0x3: {  	_ = 	snop  }
0x4: {  	_ = 	snop  }
0x5: {  	_ = 	snop  }
0x6: {  	_ = 	snop  }
0x7: {  	_ = 	snop  }
__scs_overlays_trampoline_lowered:
0x8: {  	[smem:$0x3FAA] =	sst s0  }
0x9: {  	[smem:$0x3FAB] =	sst s1  }
0xa: {  	[smem:$0x3FAC] =	sst s2  }
0xb: {  	[smem:$0x3FAD] =	sst s3  }
0xc: {  	[smem:$0x3FAE] =	sst s4  }
0xd: {  	[smem:$0x3FAF] =	sst s5  }
0xe: {  	[smem:$0x3FB0] =	sst s6  }
0xf: {  	[smem:$0x3FB1] =	sst s7  }
0x10: {  	[smem:$0x3FB2] =	sst s8  }
0x11: {  	[smem:$0x3FB3] =	sst s9;
	s0 =	simm.s32 @!p0 $0x0  }
0x12: {  	s1 =	sld [smem:$0x3F99];
	s0 =	simm.s32 @p0 $0x1  }
0x13: {  	[smem:$0x3FB4] =	sst s0;
	s0 =	simm.s32 @!p1 $0x0  }
0x14: {  	s2 =	sld [smem:$0x3F98];
	s0 =	simm.s32 @p1 $0x1  }
0x15: {  	[smem:$0x3FB5] =	sst s0;
	s0 =	simm.s32 @!p2 $0x0  }
0x16: {  	s3 =	sld [smem:$0x3FDB];
	s0 =	simm.s32 @p2 $0x1  }
0x17: {  	s4 =	simm.s32 $0x1BF5;
	[smem:$0x3FB7] =	sst s0  }
0x18: {  	s0 =	sld [smem:$0x3F9A];
	_ =	swait.ge [sflag:s4], $0x0  }
0x19: {  	s7 =	sld [smem:$0x3F9B]  }
0x1a: {  	s8 =	sadd.s32 $0xFFFFE003, lr  }
0x1b: {  	s9 =	sadd.s32 $0xFFFFFEF7, lr;
	s5 =	simm.s32 $0xFFFFFFFF;
	p2 =	slt.u32 s8, $0xFFFFF086  }
0x1c: {  	p1 =	slt.u32 s9, $0xF7A;
	s5 =	simm.s32 @!p2 $0x0  }
0x1d: {  	s5 =	simm.s32 @p1 $0x1;
	p0 =	seq.s32 s7, s2  }
0x1e: {  	s7 =	smul.u32 @!p0 $0xF7A, s2;
	p2 =	seq.s32 @!p0 s5, $0x0  }
0x1f: {  	s9 =	smul.u32 $0xF7A, s1;
	s8 =	simm.s32 @!p0 $0x1BF5;
	p2 =	por !p2, p0  }
0x20: {  	[sflag:s8] =	ssyncset.s32 @!p0 $0xFFFFF086;
	s6 =	sadd.s32 @!p0 s3, s7;
	s7 =	simm.s32 @!p0 $0x108  }
0x21: {  	s3 =	sadd.s32 s3, s9;
	s6 =	sadd.s32 @!p0 $0x88, s6;
	s7 =	simm.s32 @p2 $0x1082  }
0x22: {  	[simem:s7], [sflag:s8] =	dma.local @!p0 [hbm:s6], $0xF7A  }
0x23: {  	s9 =	sor.u32 $0xD0000000, s2;
	s6 =	simm.s32 $0x108;
	_ =	swait.ge @!p0 [sflag:s8], $0x0  }
0x24: {  	s3 =	sadd.s32 $0x88, s3;
	s6 =	simm.s32 @!p1 $0x1082;
	[sflag:s4] =	ssyncset.s32 $0xFFFFF086  }
0x25: {  	[simem:s6], [sflag:s4] =	dma.local [hbm:s3], $0xF7A  }
0x26: {  	[smem:$0x3F9B] =	sst s1;
	(tag) =	ssettag s2;
	_ =	strace s9  }
0x27: {  	s1 =	sld [smem:$0x3FAB]  }
0x28: {  	s2 =	sld [smem:$0x3FAC]  }
0x29: {  	s4 =	sld [smem:$0x3FAE]  }
0x2a: {  	p0 =	seq.s32 s5, $0x0;
	s5 =	sld [smem:$0x3FAF]  }
0x2b: {  	s6 =	sld [smem:$0x3FB0]  }
0x2c: {  	s7 =	sld [smem:$0x3FB1]  }
0x2d: {  	s3 =	simm.s32 $0x108;
	s8 =	sld [smem:$0x3FB2]  }
0x2e: {  	s3 =	simm.s32 @!p0 $0x1082;
	s9 =	sld [smem:$0x3FB3]  }
0x2f: {  	lr =	sadd.s32 s0, s3;
	s0 =	sld [smem:$0x3FAA]  }
0x30: {  	s3 =	sld [smem:$0x3FAD]  }
0x31: {  	[smem:$0x3FB6] =	sst s10  }
0x32: {  	s10 =	sld [smem:$0x3FB4];
	_ =	sdelay $0x3  }
0x33: {  	p0 =	seq.s32 s10, $0x1;
	s10 =	sld [smem:$0x3FB6];
	_ =	sdelay $0x3  }
0x34: {  	[smem:$0x3FB6] =	sst s10  }
0x35: {  	s10 =	sld [smem:$0x3FB5];
	_ =	sdelay $0x3  }
0x36: {  	p1 =	seq.s32 s10, $0x1;
	s10 =	sld [smem:$0x3FB6];
	_ =	sdelay $0x3  }
0x37: {  	[smem:$0x3FB6] =	sst s10  }
0x38: {  	s10 =	sld [smem:$0x3FB7]  }
0x39: {  	_ = 	snop;
	(pc) =	sbr.ind lr, $3  }
0x3a: {  	_ = 	snop  }
0x3b: {  	_ = 	snop  }
0x3c: {  	p2 =	seq.s32 s10, $0x1;
	s10 =	sld [smem:$0x3FB6]  }
0x3d: {  	_ =	shalt  }
0x3e: {  	_ =	shalt  }
0x3f: {  	_ =	shalt  }
0x40: {  	_ =	shalt  }
0x41: {  	_ =	shalt  }
0x42: {  	_ =	shalt  }
0x43: {  	_ =	shalt  }
0x44: {  	_ =	shalt  }
0x45: {  	_ =	shalt  }
0x46: {  	_ =	shalt  }
0x47: {  	_ =	shalt  }
0x48: {  	_ =	shalt  }
0x49: {  	_ =	shalt  }
0x4a: {  	_ =	shalt  }
0x4b: {  	_ =	shalt  }
0x4c: {  	_ =	shalt  }
0x4d: {  	_ =	shalt  }
0x4e: {  	_ =	shalt  }
0x4f: {  	_ =	shalt  }
0x50: {  	_ =	shalt  }
0x51: {  	_ =	shalt  }
0x52: {  	_ =	shalt  }
0x53: {  	_ =	shalt  }
0x54: {  	_ =	shalt  }
0x55: {  	_ =	shalt  }
0x56: {  	_ =	shalt  }
0x57: {  	_ =	shalt  }
0x58: {  	_ =	shalt  }
0x59: {  	_ =	shalt  }
0x5a: {  	_ =	shalt  }
0x5b: {  	_ =	shalt  }
0x5c: {  	_ =	shalt  }
0x5d: {  	_ =	shalt  }
0x5e: {  	_ =	shalt  }
0x5f: {  	_ =	shalt  }
0x60: {  	_ =	shalt  }
0x61: {  	_ =	shalt  }
0x62: {  	_ =	shalt  }
0x63: {  	_ =	shalt  }
0x64: {  	_ =	shalt  }
0x65: {  	_ =	shalt  }
0x66: {  	_ =	shalt  }
0x67: {  	_ =	shalt  }
0x68: {  	_ =	shalt  }
0x69: {  	_ =	shalt  }
0x6a: {  	_ =	shalt  }
0x6b: {  	_ =	shalt  }
0x6c: {  	_ =	shalt  }
0x6d: {  	_ =	shalt  }
0x6e: {  	_ =	shalt  }
0x6f: {  	_ =	shalt  }
0x70: {  	_ =	shalt  }
0x71: {  	_ =	shalt  }
0x72: {  	_ =	shalt  }
0x73: {  	_ =	shalt  }
0x74: {  	_ =	shalt  }
0x75: {  	_ =	shalt  }
0x76: {  	_ =	shalt  }
0x77: {  	_ =	shalt  }
0x78: {  	_ =	shalt  }
0x79: {  	_ =	shalt  }
0x7a: {  	_ =	shalt  }
0x7b: {  	_ =	shalt  }
0x7c: {  	_ =	shalt  }
0x7d: {  	_ =	shalt  }
0x7e: {  	_ =	shalt  }
0x7f: {  	_ =	shalt  }
0x80: {  	_ =	shalt  }
0x81: {  	_ =	shalt  }
0x82: {  	_ =	shalt  }
0x83: {  	_ =	shalt  }
0x84: {  	_ =	shalt  }
0x85: {  	_ =	shalt  }
0x86: {  	_ =	shalt  }
0x87: {  	_ =	shalt  }
.Lfunc_end0:
.L_simem_size_0:
called_computation.2_lowered:
.L_overlay_start_0:
0x88: {  	s2 =	sld [smem:$0x3FD9]  }
0x89: {  	s3 =	sld [smem:$0x3FFE];
	_ =	sdelay $0x1  }
0x8a: {  	s1 =	srdreg.scid  }
0x8b: {  	s0 =	sand.u32 $0x1, s1  }
0x8c: {  	s14 =	sshll.u32 s0, $0xA;
	s2 =	sadd.s32 s3, s2  }
0x8d: {  	s2 =	sadd.s32 s2, s14  }
0x8e: {  	[smem:$0x3FC2] =	sst s2  }
0x8f: {  	_ = 	snop  }
0x90: {  	s2 =	sld [smem:$0x3FD0];
	_ =	sdelay $0x2  }
0x91: {  	s15 =	simm.s32 $0xA;
	s4 =	simm.s32 $0x10  }
0x92: {  	[smem:s4], [sflag:s15] =	dma.local [hbm:s2], $0x1  }
0x93: {  	_ =	swait.eq [sflag:s15], $0x1  }
0x94: {  	[sflag:s15] =	ssyncset.done $0x0  }
0x95: {  	[sflag:s15] =	ssyncadd.s32 $0xFFFFFFFF  }
0x96: {  	s16 =	sld [smem:$0x11];
	(tm) =	ssettm $0x1  }
0x97: {  	s17 =	sld [smem:$0x3FFB];
	_ =	sdelay $0x3  }
0x98: {  	_ =	strace s17  }
0x99: {  	s3 =	sld [smem:$0x3FFC];
	_ =	sdelay $0x3  }
0x9a: {  	_ =	strace s3  }
0x9b: {  	s3 =	sld [smem:$0x3FFD];
	_ =	sdelay $0x3  }
0x9c: {  	_ =	strace s3  }
0x9d: {  	_ =	strace $0x8FFFFFFF  }
0x9e: {  	s18 =	sld [smem:$0x3FDB];
	_ =	sdelay $0x1  }
0x9f: {  	s19 =	simm.s32 $_scs_section_size  }
0xa0: {  	s5 =	simm.s32 $_size__tile_overlayer_lowered;
	s6 =	simm.s32 $_tile_overlayer_lowered  }
0xa1: {  	s22 =	simm.s32 $0x1BFF;
	s21 =	sshll.u32 s6, $0x1;
	s3 =	sadd.s32 s19, s18  }
0xa2: {  	s7 =	simm.s32 $0x0;
	s20 =	sshll.u32 s5, $0x1;
	s5 =	sadd.s32 s21, s3  }
0xa3: {  	[timem:s7], [sflag:s22] =	dma.local [hbm:s5], s20  }
0xa4: {  	_ =	swait.ge [sflag:s22], s20  }
0xa5: {  	s4 =	ssub.s32 $0x0, s20;
	[sflag:s22] =	ssyncset.done $0x0  }
0xa6: {  	[sflag:s22] =	ssyncadd.s32 s4;
	_ =	sdelay $0x1  }
0xa7: {  	s23 =	simm.s32 $0x1B8B  }
0xa8: {  	_ =	swait.ge [sflag:s23], $0x1  }
0xa9: {  	[sflag:s23] =	ssyncset.done $0x0  }
0xaa: {  	s25 =	simm.s32 $0x1B8E;
	s24 =	sld [smem:$0x3FFE];
	[sflag:s23] =	ssyncadd.s32 $0xFFFFFFFF  }
0xab: {  	s26 =	simm.s32 $execute0_lowered;
	[smem:$0x3FD2] =	sst s25  }
0xac: {  	s5 =	sshll.u32 s26, $0x1;
	_ =	strace $0x8000004C;
	[dreg:$0x1] =	wrdreg $0xFFFFFFFF  }
0xad: {  	s28 =	simm.s32 $_size_execute0_lowered;
	s3 =	sadd.s32 s3, s5;
	[dreg:$0x0] =	wrdreg $0x0  }
0xae: {  	s5 =	sshll.u32 s28, $0x1;
	[dreg:$0x2] =	wrdreg s3  }
0xaf: {  	[dreg:$0x3] =	wrdreg s5  }
0xb0: {  	[dreg:$0x4] =	wrdreg $0xC0  }
0xb1: {  	_ =	task [dreg:s7], $0x5FFFF  }
0xb2: {  	[dreg:$0x1] =	wrdreg $0xFFFFFFFF  }
0xb3: {  	[dreg:$0x0] =	wrdreg $0x60  }
0xb4: {  	[dreg:$0x2] =	wrdreg s24  }
0xb5: {  	[dreg:$0x3] =	wrdreg s16  }
0xb6: {  	[dreg:$0x4] =	wrdreg $0xBE000  }
0xb7: {  	[dreg:$0x5] =	wrdreg $0x9  }
0xb8: {  	_ =	task.clear_ibuf [dreg:s7], $0x6FFFF;
	_ =	strace $0x9000004C  }
0xb9: {  	s29 =	simm.s32 $0x9;
	_ =	strace $0x8000004E  }
0xba: {  	_ =	swait.ge [sflag:s29], $0x1  }
0xbb: {  	[sflag:s29] =	ssyncadd.s32 $0xFFFFFFFF  }
0xbc: {  	_ =	strace $0x9000004E  }
0xbd: {  	_ =	sfence  }
0xbe: {  	s30 =	sld [smem:$0x0];
	_ =	sdelay $0x2  }
0xbf: {  	s31 =	sshll.u32 s1, $0xD;
	s1 =	sshrl.u32 s1, $0x2  }
0xc0: {  	s3 =	sand.u32 $0x4000, s31;
	s1 =	sadd.s32 s1, s30  }
0xc1: {  	s0 =	sor.u32 s3, s0;
	s1 =	sshll.u32 s1, $0x11  }
0xc2: {  	s0 =	sor.u32 s1, s0  }
0xc3: {  	s0 =	sadd.s32 $0x8F2B, s0  }
0xc4: {  	[sflag:s0] =	ssyncadd.remote.s32 $0x1  }
0xc5: {  	_ =	sfence.sel $0xFFFF  }
0xc6: {  	[dreg:$0x0] =	wrdreg $0xFFFFFFFF;
	(pc) =	sbr.abs _section_cstart, $3  }
0xc7: {  	[dreg:$0x1] =	wrdreg $0xFFFFFFFF  }
0xc8: {  	_ =	task.clear_ibuf [dreg:s7], $0x2FFFF;
	_ =	strace $0x9FFFFFFF  }
0xc9: {  	(tm) =	ssettm $0x7FFFFFFF  }
tec
execute0_lowered:
.L_overlay_start_1:
0x0: {  	(tag) =	ssettag $0x1  }
0x1: {  	s5 =	rddreg [dreg:$0x0]  }
0x2: {  	s8 =	rddreg [dreg:$0x1];
	s0 =	stileid.u32  }
0x3: {  	s1 =	srdreg.scid;
	s2 =	rddreg [dreg:$0x2]  }
0x4: {  	s3 =	simm.s32 $0x0;
	s14 =	simm.s32 $0x3C00;
	s15 =	simm.s32 $0x3E00  }
0x5: {  	s16 =	simm.s32 $0x1;
	s17 =	simm.s32 $0x3D00;
	s18 =	simm.s32 $0x0  }
0x6: {  	s6 =	smul.u32 $0x14000, s0;
	s7 =	sand.u32 $0x1, s1;
	s1 =	rddreg [dreg:$0x3]  }
0x7: {  	[smem:$0x7FF] =	sst s3;
	s4 =	sadd.s32 $0x2A400, s5;
	s10 =	smul.u32 $0x50000, s0  }
0x8: {  	s12 =	sshll.u32 s0, $0x1;
	s31 =	sshll.u32 s0, $0x6;
	s9 =	smul.u32 $0x140000, s7  }
0x9: {  	_ =	strace $0x8000004D;
	s29 =	ssub.s32 $0x2, s7;
	s30 =	sor.u32 s7, s12  }
0xa: {  	p0 =	seq.s32 s7, $0x0;
	s7 =	simm.s32 $0x3A;
	s12 =	simm.s32 $0x2  }
0xb: {  	s11 =	sshrl.u32 s29, $0x1;
	s10 =	sshrl.u32 s10, $0x2;
	s7 =	simm.s32 @!p0 $0x16  }
0xc: {  	s9 =	sadd.s32 s6, s9;
	s6 =	sshrl.u32 s6, $0x3;
	s13 =	sadd.s32 s10, s2  }
0xd: {  	s10 =	smul.u32 $0x780, s30;
	s9 =	sshrl.u32 s9, $0x3;
	s6 =	sadd.s32 s6, s5  }
0xe: {  	s11 =	ssub.s32 s29, s11;
	s9 =	sadd.s32 s9, s5;
	s5 =	sadd.s32 $0x52400, s6  }
0xf: {  	s6 =	sor.u32 $0x1C02, s31;
	s8 =	sadd.s32 s8, s10;
	s10 =	smax.u32 s11, $0x1  }
0x10: {  	s11 =	sshrl.u32 s13, $0x3;
	s13 =	simm.s32 $0x100;
	s9 =	sadd.s32 $0x7A400, s9  }
.LBB2_1:
0x11: {  	[spmem:s11], [sflag:s6] =	dma.local [hbm:s5], $0x2800  }
0x12: {  	_ =	swait.ge [sflag:s12], $0x2800  }
0x13: {  	[sflag:s12] =	ssyncset.done $0x0  }
0x14: {  	[sflag:s12] =	ssyncadd.s32 $0xFFFFD800  }
0x15: {  	[tilespmem:s3], [sflag:$0x2] =	stream.linear.gather [hbm4b:s8+s3], $0x3A00, $0x38;
	[tilespmem:$0x1FE00] =	vst v63  }
0x16: {  	_ =	swait.ge [sflag:s12], $0x3A00  }
0x17: {  	[sflag:s12] =	ssyncset.done $0x0  }
0x18: {  	[sflag:s12] =	ssyncadd.s32 $0xFFFFC600  }
0x19: {  	s19 =	simm.s32 $0x0;
	[bflag:$0x0] =	sbarrier.arrive $0xFFFF  }
.LBB2_2:
0x1a: {  	s22 =	simm.s32 $0x0  }
0x1b: {  	s20 =	sshll.u32 s19, $0xA;
	s23 =	sand.u32 $0x200, s22  }
0x1c: {  	s21 =	sshra.s32 s20, $0x2;
	s30 =	sshrl.u32 s23, $0x2  }
0x1d: {  	s31 =	sand.u32 $0x70, s22;
	s20 =	sadd.s32 s30, s21  }
0x1e: {  	s24 =	sadd.s32 s31, s20  }
0x1f: {  	v0 =	vld [tilespmem:s24+$0x0];
	_ =	sdelay $0x2  }
0x20: {  	s20 =	simm.s32 $0x40  }
0x21: {  	s23 =	simm.s32 $0x10;
	s25 =	sand.u32 $0x200, s20;
	s24 =	simm.s32 $0x20  }
.LBB2_3:
0x22: {  	p0 =	sne.s32 s24, $0xF0;
	s25 =	sshrl.u32 s25, $0x2;
	v1 =	vand.u32 $0xFFFF, v0;
	s26 =	sshra.s32 s22, $0x2;
	v0 =	vshrl.u32 v0, $0x10  }
0x23: {  	s23 =	sand.u32 $0x70, s23;
	s22 =	smov.u32 s20;
	s25 =	sadd.s32 s25, s21;
	[tilespmem:s26+$0x3C00] =	vst v1  }
0x24: {  	s25 =	sadd.s32 s23, s25;
	[tilespmem:s26+$0x3D00] =	vst v0;
	s23 =	smov.u32 s24  }
.Ltmp0:
0x25: {  	v0 =	vld [tilespmem:s25+$0x0];
	(pc) =	sbr.rel @p0 .LBB2_3-.Ltmp0, $3  }
0x26: {  	_ =	sdelay $0x1  }
0x27: {  	s20 =	sadd.s32 $0x40, s20  }
0x28: {  	s24 =	sadd.s32 $0x10, s24;
	s25 =	sand.u32 $0x200, s20  }
0x29: {  	s24 =	sshrl.u32 s25, $0x2;
	v1 =	vand.u32 $0xFFFF, v0;
	s22 =	sshra.s32 s22, $0x2  }
0x2a: {  	v62 =	vshrl.u32 v0, $0x10;
	s23 =	sand.u32 $0x70, s23;
	s21 =	sadd.s32 s24, s21;
	[tilespmem:s22+$0x3C00] =	vst v1  }
0x2b: {  	[tilespmem:s22+$0x3D00] =	vst v62;
	s21 =	sadd.s32 s23, s21  }
0x2c: {  	v0 =	vld [tilespmem:s21+$0x0];
	_ =	sdelay $0x4  }
0x2d: {  	s20 =	sshra.s32 s20, $0x2;
	v63 =	vand.u32 $0xFFFF, v0  }
0x2e: {  	v0 =	vshrl.u32 v0, $0x10;
	[tilespmem:s20+$0x3C00] =	vst v63  }
0x2f: {  	[tilespmem:s20+$0x3D00] =	vst v0  }
0x30: {  	[tilespmem:s15], [sflag:$0x1] =	stream.indirect.gather [hbm4b:s4+s13], $0x80, s14, s13, $0xb8;
	[tilespmem:$0x1FE00] =	vst v63  }
0x31: {  	s19 =	sadd.s32 $0x1, s19;
	_ =	swait.ge [sflag:s16], $0x8000  }
0x32: {  	p0 =	sne.s32 s19, s7;
	[sflag:s16] =	ssyncset.done $0x0  }
.Ltmp1:
0x33: {  	[sflag:s16] =	ssyncadd.s32 $0xFFFF8000;
	(pc) =	sbr.rel @p0 .LBB2_2-.Ltmp1, $4  }
0x34: {  	[spmem:s2] =	stream.indirect.scatter.add.f32 [tilespmem:s15], [sflag:$0x2], $0x80, s17, s13, $0xb8;
	[tilespmem:$0x1FE00] =	vst v63  }
0x35: {  	_ =	swait.ge [sflag:s12], $0x8000  }
0x36: {  	[sflag:s12] =	ssyncset.done $0x0  }
0x37: {  	[sflag:s12] =	ssyncadd.s32 $0xFFFF8000  }
0x38: {  	s18 =	sadd.s32 $0x1, s18  }
0x39: {  	p0 =	sne.s32 s18, s10  }
.Ltmp2:
0x3a: {  	[bflag:$0x0] =	sbarrier.arrive $0xFFFF;
	(pc) =	sbr.rel @p0 .LBB2_1-.Ltmp2, $4  }
0x3b: {  	[hbm:s9], [sflag:s6] =	dma.local [spmem:s11], $0x2800  }
0x3c: {  	_ =	swait.ge [sflag:s12], $0x2800  }
0x3d: {  	[sflag:s12] =	ssyncset.done $0x0  }
0x3e: {  	[sflag:s12] =	ssyncadd.s32 $0xFFFFD800  }
0x3f: {  	_ =	sfence.sel $0x180000  }
0x40: {  	[bflag:$0x0] =	sbarrier.arrive $0xFFFF  }
0x41: {  	p0 =	sne.s32 s0, $0x0;
	_ =	strace $0x9000004D  }
0x42: {  	s0 =	sadd.s32 @!p0 $0x100000, s1;
	[bflag:$0x2] =	sbarrier.arrive $0xFFFF  }
0x43: {  	[sflag:s0] =	ssyncadd.tile.s32 @!p0 $0x1;
	_ =	shalt  }
.Lfunc_end2:
_tile_overlayer_lowered:
.L_overlay_start_2:
0x44: {  	(tag) =	ssettag $0x2  }
0x45: {  	s0 =	rddreg [dreg:$0x0];
	s2 =	stileid.u32  }
0x46: {  	s1 =	rddreg [dreg:$0x1];
	p0 =	sne.s32 s2, $0x0  }
0x47: {  	s3 =	rddreg [dreg:$0x2];
	[bflag:$0x3] =	sbarrier.arrive $0xFFFF;
	s2 =	simm.s32 @!p0 $0x1C02  }
0x48: {  	[timem:s3], [sflag:s2] =	dma.local @!p0 [hbm:s0], s1  }
0x49: {  	s0 =	simm.s32 @!p0 $0x2  }
0x4a: {  	_ =	swait.ge @!p0 [sflag:s0], s1  }
0x4b: {  	s1 =	ssub.s32 @!p0 $0x0, s1;
	[sflag:s0] =	ssyncset.done @!p0 $0x0  }
0x4c: {  	[sflag:s0] =	ssyncadd.s32 @!p0 s1  }
0x4d: {  	[bflag:$0x3] =	sbarrier.arrive $0xFFFF  }
0x4e: {  	_ =	shalt  }

// kernel: kernel.8.cloned.1.call-start
scs
__scs_entry_jumppad:
0x0: {  	(pc) =	sbr.rel $0x88, $3  }
0x1: {  	(tag) =	ssettag $0x0;
	lr =	simm.s32 $0x1  }
0x2: {  	[smem:$0x3F9B] =	sst lr;
	_ =	strace $0xD0000000  }
0x3: {  	_ = 	snop  }
0x4: {  	_ = 	snop  }
0x5: {  	_ = 	snop  }
0x6: {  	_ = 	snop  }
0x7: {  	_ = 	snop  }
__scs_overlays_trampoline_lowered:
0x8: {  	[smem:$0x3FAA] =	sst s0  }
0x9: {  	[smem:$0x3FAB] =	sst s1  }
0xa: {  	[smem:$0x3FAC] =	sst s2  }
0xb: {  	[smem:$0x3FAD] =	sst s3  }
0xc: {  	[smem:$0x3FAE] =	sst s4  }
0xd: {  	[smem:$0x3FAF] =	sst s5  }
0xe: {  	[smem:$0x3FB0] =	sst s6  }
0xf: {  	[smem:$0x3FB1] =	sst s7  }
0x10: {  	[smem:$0x3FB2] =	sst s8  }
0x11: {  	[smem:$0x3FB3] =	sst s9;
	s0 =	simm.s32 @!p0 $0x0  }
0x12: {  	s1 =	sld [smem:$0x3F99];
	s0 =	simm.s32 @p0 $0x1  }
0x13: {  	[smem:$0x3FB4] =	sst s0;
	s0 =	simm.s32 @!p1 $0x0  }
0x14: {  	s2 =	sld [smem:$0x3F98];
	s0 =	simm.s32 @p1 $0x1  }
0x15: {  	[smem:$0x3FB5] =	sst s0;
	s0 =	simm.s32 @!p2 $0x0  }
0x16: {  	s3 =	sld [smem:$0x3FDB];
	s0 =	simm.s32 @p2 $0x1  }
0x17: {  	s4 =	simm.s32 $0x1BF5;
	[smem:$0x3FB7] =	sst s0  }
0x18: {  	s0 =	sld [smem:$0x3F9A];
	_ =	swait.ge [sflag:s4], $0x0  }
0x19: {  	s7 =	sld [smem:$0x3F9B]  }
0x1a: {  	s8 =	sadd.s32 $0xFFFFE003, lr  }
0x1b: {  	s9 =	sadd.s32 $0xFFFFFEF7, lr;
	s5 =	simm.s32 $0xFFFFFFFF;
	p2 =	slt.u32 s8, $0xFFFFF086  }
0x1c: {  	p1 =	slt.u32 s9, $0xF7A;
	s5 =	simm.s32 @!p2 $0x0  }
0x1d: {  	s5 =	simm.s32 @p1 $0x1;
	p0 =	seq.s32 s7, s2  }
0x1e: {  	s7 =	smul.u32 @!p0 $0xF7A, s2;
	p2 =	seq.s32 @!p0 s5, $0x0  }
0x1f: {  	s9 =	smul.u32 $0xF7A, s1;
	s8 =	simm.s32 @!p0 $0x1BF5;
	p2 =	por !p2, p0  }
0x20: {  	[sflag:s8] =	ssyncset.s32 @!p0 $0xFFFFF086;
	s6 =	sadd.s32 @!p0 s3, s7;
	s7 =	simm.s32 @!p0 $0x108  }
0x21: {  	s3 =	sadd.s32 s3, s9;
	s6 =	sadd.s32 @!p0 $0x88, s6;
	s7 =	simm.s32 @p2 $0x1082  }
0x22: {  	[simem:s7], [sflag:s8] =	dma.local @!p0 [hbm:s6], $0xF7A  }
0x23: {  	s9 =	sor.u32 $0xD0000000, s2;
	s6 =	simm.s32 $0x108;
	_ =	swait.ge @!p0 [sflag:s8], $0x0  }
0x24: {  	s3 =	sadd.s32 $0x88, s3;
	s6 =	simm.s32 @!p1 $0x1082;
	[sflag:s4] =	ssyncset.s32 $0xFFFFF086  }
0x25: {  	[simem:s6], [sflag:s4] =	dma.local [hbm:s3], $0xF7A  }
0x26: {  	[smem:$0x3F9B] =	sst s1;
	(tag) =	ssettag s2;
	_ =	strace s9  }
0x27: {  	s1 =	sld [smem:$0x3FAB]  }
0x28: {  	s2 =	sld [smem:$0x3FAC]  }
0x29: {  	s4 =	sld [smem:$0x3FAE]  }
0x2a: {  	p0 =	seq.s32 s5, $0x0;
	s5 =	sld [smem:$0x3FAF]  }
0x2b: {  	s6 =	sld [smem:$0x3FB0]  }
0x2c: {  	s7 =	sld [smem:$0x3FB1]  }
0x2d: {  	s3 =	simm.s32 $0x108;
	s8 =	sld [smem:$0x3FB2]  }
0x2e: {  	s3 =	simm.s32 @!p0 $0x1082;
	s9 =	sld [smem:$0x3FB3]  }
0x2f: {  	lr =	sadd.s32 s0, s3;
	s0 =	sld [smem:$0x3FAA]  }
0x30: {  	s3 =	sld [smem:$0x3FAD]  }
0x31: {  	[smem:$0x3FB6] =	sst s10  }
0x32: {  	s10 =	sld [smem:$0x3FB4];
	_ =	sdelay $0x3  }
0x33: {  	p0 =	seq.s32 s10, $0x1;
	s10 =	sld [smem:$0x3FB6];
	_ =	sdelay $0x3  }
0x34: {  	[smem:$0x3FB6] =	sst s10  }
0x35: {  	s10 =	sld [smem:$0x3FB5];
	_ =	sdelay $0x3  }
0x36: {  	p1 =	seq.s32 s10, $0x1;
	s10 =	sld [smem:$0x3FB6];
	_ =	sdelay $0x3  }
0x37: {  	[smem:$0x3FB6] =	sst s10  }
0x38: {  	s10 =	sld [smem:$0x3FB7]  }
0x39: {  	_ = 	snop;
	(pc) =	sbr.ind lr, $3  }
0x3a: {  	_ = 	snop  }
0x3b: {  	_ = 	snop  }
0x3c: {  	p2 =	seq.s32 s10, $0x1;
	s10 =	sld [smem:$0x3FB6]  }
0x3d: {  	_ =	shalt  }
0x3e: {  	_ =	shalt  }
0x3f: {  	_ =	shalt  }
0x40: {  	_ =	shalt  }
0x41: {  	_ =	shalt  }
0x42: {  	_ =	shalt  }
0x43: {  	_ =	shalt  }
0x44: {  	_ =	shalt  }
0x45: {  	_ =	shalt  }
0x46: {  	_ =	shalt  }
0x47: {  	_ =	shalt  }
0x48: {  	_ =	shalt  }
0x49: {  	_ =	shalt  }
0x4a: {  	_ =	shalt  }
0x4b: {  	_ =	shalt  }
0x4c: {  	_ =	shalt  }
0x4d: {  	_ =	shalt  }
0x4e: {  	_ =	shalt  }
0x4f: {  	_ =	shalt  }
0x50: {  	_ =	shalt  }
0x51: {  	_ =	shalt  }
0x52: {  	_ =	shalt  }
0x53: {  	_ =	shalt  }
0x54: {  	_ =	shalt  }
0x55: {  	_ =	shalt  }
0x56: {  	_ =	shalt  }
0x57: {  	_ =	shalt  }
0x58: {  	_ =	shalt  }
0x59: {  	_ =	shalt  }
0x5a: {  	_ =	shalt  }
0x5b: {  	_ =	shalt  }
0x5c: {  	_ =	shalt  }
0x5d: {  	_ =	shalt  }
0x5e: {  	_ =	shalt  }
0x5f: {  	_ =	shalt  }
0x60: {  	_ =	shalt  }
0x61: {  	_ =	shalt  }
0x62: {  	_ =	shalt  }
0x63: {  	_ =	shalt  }
0x64: {  	_ =	shalt  }
0x65: {  	_ =	shalt  }
0x66: {  	_ =	shalt  }
0x67: {  	_ =	shalt  }
0x68: {  	_ =	shalt  }
0x69: {  	_ =	shalt  }
0x6a: {  	_ =	shalt  }
0x6b: {  	_ =	shalt  }
0x6c: {  	_ =	shalt  }
0x6d: {  	_ =	shalt  }
0x6e: {  	_ =	shalt  }
0x6f: {  	_ =	shalt  }
0x70: {  	_ =	shalt  }
0x71: {  	_ =	shalt  }
0x72: {  	_ =	shalt  }
0x73: {  	_ =	shalt  }
0x74: {  	_ =	shalt  }
0x75: {  	_ =	shalt  }
0x76: {  	_ =	shalt  }
0x77: {  	_ =	shalt  }
0x78: {  	_ =	shalt  }
0x79: {  	_ =	shalt  }
0x7a: {  	_ =	shalt  }
0x7b: {  	_ =	shalt  }
0x7c: {  	_ =	shalt  }
0x7d: {  	_ =	shalt  }
0x7e: {  	_ =	shalt  }
0x7f: {  	_ =	shalt  }
0x80: {  	_ =	shalt  }
0x81: {  	_ =	shalt  }
0x82: {  	_ =	shalt  }
0x83: {  	_ =	shalt  }
0x84: {  	_ =	shalt  }
0x85: {  	_ =	shalt  }
0x86: {  	_ =	shalt  }
0x87: {  	_ =	shalt  }
.Lfunc_end0:
.L_simem_size_0:
called_computation_lowered:
.L_overlay_start_0:
0x88: {  	s2 =	sld [smem:$0x3FD9]  }
0x89: {  	s3 =	sld [smem:$0x3FFE];
	_ =	sdelay $0x1  }
0x8a: {  	s1 =	srdreg.scid  }
0x8b: {  	s0 =	sand.u32 $0x1, s1  }
0x8c: {  	s14 =	sshll.u32 s0, $0xA;
	s2 =	sadd.s32 s3, s2  }
0x8d: {  	s2 =	sadd.s32 s2, s14  }
0x8e: {  	[smem:$0x3FC2] =	sst s2  }
0x8f: {  	_ = 	snop  }
0x90: {  	s2 =	sld [smem:$0x3FD0];
	_ =	sdelay $0x2  }
0x91: {  	s15 =	simm.s32 $0xA;
	s4 =	simm.s32 $0x10  }
0x92: {  	[smem:s4], [sflag:s15] =	dma.local [hbm:s2], $0x1  }
0x93: {  	_ =	swait.eq [sflag:s15], $0x1  }
0x94: {  	[sflag:s15] =	ssyncset.done $0x0  }
0x95: {  	[sflag:s15] =	ssyncadd.s32 $0xFFFFFFFF  }
0x96: {  	s16 =	sld [smem:$0x10];
	(tm) =	ssettm $0x1  }
0x97: {  	s17 =	sld [smem:$0x3FFB];
	_ =	sdelay $0x3  }
0x98: {  	_ =	strace s17  }
0x99: {  	s3 =	sld [smem:$0x3FFC];
	_ =	sdelay $0x3  }
0x9a: {  	_ =	strace s3  }
0x9b: {  	s3 =	sld [smem:$0x3FFD];
	_ =	sdelay $0x3  }
0x9c: {  	_ =	strace s3  }
0x9d: {  	_ =	strace $0x8FFFFFFF  }
0x9e: {  	s18 =	sld [smem:$0x3FDB];
	_ =	sdelay $0x1  }
0x9f: {  	s19 =	simm.s32 $_scs_section_size  }
0xa0: {  	s5 =	simm.s32 $_size__tile_overlayer_lowered;
	s6 =	simm.s32 $_tile_overlayer_lowered  }
0xa1: {  	s22 =	simm.s32 $0x1BFF;
	s21 =	sshll.u32 s6, $0x1;
	s3 =	sadd.s32 s19, s18  }
0xa2: {  	s7 =	simm.s32 $0x0;
	s20 =	sshll.u32 s5, $0x1;
	s5 =	sadd.s32 s21, s3  }
0xa3: {  	[timem:s7], [sflag:s22] =	dma.local [hbm:s5], s20  }
0xa4: {  	_ =	swait.ge [sflag:s22], s20  }
0xa5: {  	s4 =	ssub.s32 $0x0, s20;
	[sflag:s22] =	ssyncset.done $0x0  }
0xa6: {  	[sflag:s22] =	ssyncadd.s32 s4;
	_ =	sdelay $0x1  }
0xa7: {  	s23 =	simm.s32 $0x1B8B  }
0xa8: {  	_ =	swait.ge [sflag:s23], $0x1  }
0xa9: {  	[sflag:s23] =	ssyncset.done $0x0  }
0xaa: {  	s25 =	simm.s32 $0x1B8E;
	s24 =	sld [smem:$0x3FFE];
	[sflag:s23] =	ssyncadd.s32 $0xFFFFFFFF  }
0xab: {  	s26 =	simm.s32 $execute0_lowered;
	[smem:$0x3FD2] =	sst s25  }
0xac: {  	s5 =	sshll.u32 s26, $0x1;
	_ =	strace $0x80000046;
	[dreg:$0x1] =	wrdreg $0xFFFFFFFF  }
0xad: {  	s28 =	simm.s32 $_size_execute0_lowered;
	s3 =	sadd.s32 s3, s5;
	[dreg:$0x0] =	wrdreg $0x0  }
0xae: {  	s5 =	sshll.u32 s28, $0x1;
	[dreg:$0x2] =	wrdreg s3  }
0xaf: {  	[dreg:$0x3] =	wrdreg s5  }
0xb0: {  	[dreg:$0x4] =	wrdreg $0xC0  }
0xb1: {  	_ =	task [dreg:s7], $0x5FFFF  }
0xb2: {  	[dreg:$0x1] =	wrdreg $0xFFFFFFFF  }
0xb3: {  	[dreg:$0x0] =	wrdreg $0x60  }
0xb4: {  	[dreg:$0x2] =	wrdreg s24  }
0xb5: {  	[dreg:$0x3] =	wrdreg s16  }
0xb6: {  	[dreg:$0x4] =	wrdreg $0x9  }
0xb7: {  	_ =	task.clear_ibuf [dreg:s7], $0x5FFFF;
	_ =	strace $0x90000046  }
0xb8: {  	s29 =	simm.s32 $0x9;
	_ =	strace $0x80000048  }
0xb9: {  	_ =	swait.ge [sflag:s29], $0x1  }
0xba: {  	[sflag:s29] =	ssyncadd.s32 $0xFFFFFFFF  }
0xbb: {  	_ =	strace $0x90000048  }
0xbc: {  	_ =	sfence  }
0xbd: {  	s30 =	sld [smem:$0x0];
	_ =	sdelay $0x2  }
0xbe: {  	s31 =	sshll.u32 s1, $0xD;
	s1 =	sshrl.u32 s1, $0x2  }
0xbf: {  	s3 =	sand.u32 $0x4000, s31;
	s1 =	sadd.s32 s1, s30  }
0xc0: {  	s0 =	sor.u32 s3, s0;
	s1 =	sshll.u32 s1, $0x11  }
0xc1: {  	s0 =	sor.u32 s1, s0  }
0xc2: {  	s0 =	sadd.s32 $0x8F2B, s0  }
0xc3: {  	[sflag:s0] =	ssyncadd.remote.s32 $0x1  }
0xc4: {  	_ =	sfence.sel $0xFFFF  }
0xc5: {  	[dreg:$0x0] =	wrdreg $0xFFFFFFFF;
	(pc) =	sbr.abs _section_cstart, $3  }
0xc6: {  	[dreg:$0x1] =	wrdreg $0xFFFFFFFF  }
0xc7: {  	_ =	task.clear_ibuf [dreg:s7], $0x2FFFF;
	_ =	strace $0x9FFFFFFF  }
0xc8: {  	(tm) =	ssettm $0x7FFFFFFF  }
0xc9: {  	_ =	shalt  }
tec
execute0_lowered:
.L_overlay_start_1:
0x0: {  	(tag) =	ssettag $0x1  }
0x1: {  	s3 =	rddreg [dreg:$0x0]  }
0x2: {  	s1 =	srdreg.scid;
	s0 =	stileid.u32  }
0x3: {  	s4 =	rddreg [dreg:$0x1];
	s9 =	simm.s32 $0x400;
	s10 =	simm.s32 $0x0  }
0x4: {  	s5 =	sand.u32 $0x1, s1;
	s2 =	sshll.u32 s0, $0x1;
	s1 =	rddreg [dreg:$0x2]  }
0x5: {  	s7 =	sshrl.u32 s0, $0x2;
	s6 =	sor.u32 s5, s2;
	s2 =	simm.s32 $0x0  }
0x6: {  	s7 =	smul.u32 $0x14000, s7;
	s5 =	ssub.s32 $0x2, s5;
	s8 =	sshll.u32 s6, $0x7  }
0x7: {  	[smem:$0x7FF] =	sst s2;
	s6 =	smul.u32 $0x2800, s6;
	s31 =	sshrl.u32 s5, $0x1  }
0x8: {  	s8 =	sand.u32 $0x380, s8;
	_ =	strace $0x80000047;
	s5 =	ssub.s32 s5, s31  }
0x9: {  	s7 =	sor.u32 s7, s8;
	s3 =	sadd.s32 s6, s3;
	s5 =	smax.u32 s5, $0x1  }
0xa: {  	s6 =	simm.s32 $0x1;
	s8 =	simm.s32 $0x80;
	s7 =	sshrl.u32 s7, $0x3  }
0xb: {  	v0 =	vimm.f32 $0.0e+00;
	v1 =	vimm.f32 $1.000000000e+00;
	s3 =	sadd.s32 $0x2400, s3;
	s4 =	sadd.s32 s4, s7;
	s7 =	simm.s32 $0x14000  }
.LBB2_1:
0xc: {  	[tilespmem:s2], [sflag:$0x1] =	stream.linear.gather [hbm4b:s3+s2], $0x14000, $0x38;
	[tilespmem:$0x16800] =	vst v63  }
0xd: {  	_ =	swait.ge [sflag:s6], $0x14000  }
0xe: {  	[sflag:s6] =	ssyncset.done $0x0  }
0xf: {  	s11 =	simm.s32 $0x0;
	[sflag:s6] =	ssyncadd.s32 $0xFFFEC000  }
.LBB2_2:
0x10: {  	p0 =	sne.s32 s11, $0x9FC0  }
.Ltmp0:
0x11: {  	_ = 	snop;
	(pc) =	sbr.rel @p0 .LBB2_2-.Ltmp0, $3  }
0x12: {  	_ =	sdelay $0x1  }
0x13: {  	s12 =	sshra.s32 s11, $0x2  }
0x14: {  	s11 =	sadd.s32 $0x40, s11;
	[tilespmem:s12+$0x14000] =	vst v0  }
0x15: {  	s12 =	simm.s32 $0x0;
	s11 =	simm.s32 $0x200  }
.LBB2_4:
0x16: {  	p0 =	sne.s32 s11, $0x4FE00;
	v2 =	vld [tilespmem:s12+$0x0];
	_ =	sdelay $0x3  }
.Ltmp1:
0x17: {  	(pc) =	sbr.rel @p0 .LBB2_4-.Ltmp1, $2  }
0x18: {  	_ =	sdelay $0x2  }
0x19: {  	s12 =	sshra.s32 s11, $0x2;
	s11 =	sadd.s32 $0x200, s11;
	[tilespmem:v2+s7+$0x0] =	vst.idx.add.f32.msk $0xffff, v1  }
0x1a: {  	v2 =	vld [tilespmem:s12+$0x0];
	_ =	sdelay $0x5  }
0x1b: {  	s10 =	sadd.s32 $0x1, s10  }
0x1c: {  	p0 =	sne.s32 s10, s5  }
.Ltmp2:
0x1d: {  	[tilespmem:v2+s7+$0x0] =	vst.idx.add.f32.msk $0xffff, v1;
	(pc) =	sbr.rel @p0 .LBB2_1-.Ltmp2, $4  }
0x1e: {  	[hbm4b:s4+s8] =	stream.strided.scatter [tilespmem:s7], [sflag:$0x1], $0x2800, s9, s8, $0x38;
	[tilespmem:$0x16800] =	vst v63  }
0x1f: {  	_ =	swait.ge [sflag:s6], $0x2800  }
0x20: {  	[sflag:s6] =	ssyncset.done $0x0  }
0x21: {  	[sflag:s6] =	ssyncadd.s32 $0xFFFFD800  }
0x22: {  	_ =	sfence.sel $0x180000  }
0x23: {  	[bflag:$0x0] =	sbarrier.arrive $0xFFFF  }
0x24: {  	p0 =	sne.s32 s0, $0x0;
	_ =	strace $0x90000047  }
0x25: {  	s0 =	sadd.s32 @!p0 $0x100000, s1;
	[bflag:$0x2] =	sbarrier.arrive $0xFFFF  }
0x26: {  	[sflag:s0] =	ssyncadd.tile.s32 @!p0 $0x1;
	_ =	shalt  }
.Lfunc_end2:
_tile_overlayer_lowered:
.L_overlay_start_2:
0x27: {  	(tag) =	ssettag $0x2  }
0x28: {  	s0 =	rddreg [dreg:$0x0];
	s2 =	stileid.u32  }
0x29: {  	s1 =	rddreg [dreg:$0x1];
	p0 =	sne.s32 s2, $0x0  }
0x2a: {  	s3 =	rddreg [dreg:$0x2];
	[bflag:$0x3] =	sbarrier.arrive $0xFFFF;
	s2 =	simm.s32 @!p0 $0x1C01  }
0x2b: {  	[timem:s3], [sflag:s2] =	dma.local @!p0 [hbm:s0], s1  }
0x2c: {  	s0 =	simm.s32 @!p0 $0x1  }
0x2d: {  	_ =	swait.ge @!p0 [sflag:s0], s1  }
0x2e: {  	s1 =	ssub.s32 @!p0 $0x0, s1;
	[sflag:s0] =	ssyncset.done @!p0 $0x0  }
0x2f: {  	[sflag:s0] =	ssyncadd.s32 @!p0 s1  }
0x30: {  	[bflag:$0x3] =	sbarrier.arrive $0xFFFF  }
0x31: {  	_ =	shalt  }

</sc_bundles>
